<compile_context>
chip_gen: v7x
topology: tpu7x:2x2x1
jax: 0.10.2.dev20260603
libtpu: 0.0.44.dev20260713+nightly
codegen_flags: <defaults>
</compile_context>

<pallas_src>
import functools

import jax
import jax.numpy as jnp
from jax import lax
from jax.experimental import pallas as pl
from jax.experimental.pallas import tpu as pltpu
from jax.experimental.pallas import tpu_sc as plsc

N_NODES = 100000
N_EDGES = 3200000
C = 23

NC = 2
NS = 16
NP = 100864
ROWS_PER_TILE = NP // NS
EDGES_PER_TILE_AGG = N_EDGES // NS
EDGES_PER_TILE_DEG = N_EDGES // (NC * NS)
B_AGG = 800
N_CHUNKS = EDGES_PER_TILE_AGG // B_AGG
B_DEG = 5000

_sc_mesh = plsc.VectorSubcoreMesh(
    core_axis_name="c", subcore_axis_name="s", num_cores=NC, num_subcores=NS
)


@functools.partial(
    pl.kernel,
    out_type=jax.ShapeDtypeStruct((NC, NP), jnp.float32),
    mesh=_sc_mesh,
    scratch_types=[
        pltpu.VMEM((B_DEG,), jnp.int32),
        pltpu.VMEM((B_DEG,), jnp.float32),
        pltpu.VMEM_SHARED((NP,), jnp.float32),
    ],
    compiler_params=pltpu.CompilerParams(use_tc_tiling_on_sc=False),
)
def _sc_degree(edge_hbm, ones_hbm, zeros_hbm, out_hbm, idx_v, ones_v, deg_sp):
    c = lax.axis_index("c")
    s = lax.axis_index("s")
    row0 = s * ROWS_PER_TILE
    pltpu.sync_copy(zeros_hbm, deg_sp.at[pl.ds(row0, ROWS_PER_TILE)])
    pltpu.sync_copy(ones_hbm, ones_v)
    plsc.subcore_barrier()
    base = (c * NS + s) * EDGES_PER_TILE_DEG

    def body(i, carry):
        off = base + i * B_DEG
        pltpu.sync_copy(edge_hbm.at[1, pl.ds(off, B_DEG)], idx_v)
        pltpu.sync_copy(ones_v, deg_sp.at[idx_v], add=True)
        return carry

    lax.fori_loop(0, EDGES_PER_TILE_DEG // B_DEG, body, 0)
    plsc.subcore_barrier()
    pltpu.sync_copy(
        deg_sp.at[pl.ds(row0, ROWS_PER_TILE)],
        out_hbm.at[c, pl.ds(row0, ROWS_PER_TILE)],
    )


@functools.partial(
    pl.kernel,
    out_type=(
        jax.ShapeDtypeStruct((NP, 16), jnp.float32),
        jax.ShapeDtypeStruct((NP, 16), jnp.float32),
    ),
    mesh=_sc_mesh,
    scratch_types=[
        pltpu.VMEM((2, B_AGG), jnp.int32),
        pltpu.VMEM((2, B_AGG), jnp.int32),
        pltpu.VMEM((B_AGG, 16), jnp.float32),
        pltpu.VMEM((B_AGG, 16), jnp.float32),
        pltpu.SemaphoreType.DMA,
        pltpu.SemaphoreType.DMA,
        pltpu.VMEM_SHARED((NP, 16), jnp.float32),
    ],
    compiler_params=pltpu.CompilerParams(use_tc_tiling_on_sc=False),
)
def _sc_aggregate(edge_hbm, ga_hbm, gb_hbm, zeros_hbm,
                  outa_hbm, outb_hbm,
                  src_v, dst_v, rows0_v, rows1_v, sem0, sem1, acc_sp):
    c = lax.axis_index("c")
    s = lax.axis_index("s")
    row0 = s * ROWS_PER_TILE
    pltpu.sync_copy(zeros_hbm, acc_sp.at[pl.ds(row0, ROWS_PER_TILE)])
    plsc.subcore_barrier()
    base = s * EDGES_PER_TILE_AGG
    rows = (rows0_v, rows1_v)
    sems = (sem0, sem1)

    def load_and_fire(i, p):
        off = base + i * B_AGG
        pltpu.sync_copy(edge_hbm.at[0, pl.ds(off, B_AGG)], src_v.at[p])
        pltpu.sync_copy(edge_hbm.at[1, pl.ds(off, B_AGG)], dst_v.at[p])

        @pl.when(c == 0)
        def _():
            pltpu.async_copy(ga_hbm.at[src_v.at[p]], rows[p], sems[p])

        @pl.when(c == 1)
        def _():
            pltpu.async_copy(gb_hbm.at[src_v.at[p]], rows[p], sems[p])

    load_and_fire(0, 0)

    def body(j, carry):
        for p in (0, 1):
            i = 2 * j + p

            @pl.when(i < N_CHUNKS - 1)
            def _():
                load_and_fire(i + 1, 1 - p)

            pltpu.make_async_copy(ga_hbm.at[src_v.at[p]], rows[p],
                                  sems[p]).wait()
            pltpu.sync_copy(rows[p], acc_sp.at[dst_v.at[p]], add=True)
        return carry

    lax.fori_loop(0, N_CHUNKS // 2, body, 0)
    plsc.subcore_barrier()

    @pl.when(c == 0)
    def _():
        pltpu.sync_copy(acc_sp.at[pl.ds(row0, ROWS_PER_TILE)],
                        outa_hbm.at[pl.ds(row0, ROWS_PER_TILE)])

    @pl.when(c == 1)
    def _():
        pltpu.sync_copy(acc_sp.at[pl.ds(row0, ROWS_PER_TILE)],
                        outb_hbm.at[pl.ds(row0, ROWS_PER_TILE)])


BLK = 2048
N_BLKS = -(-N_NODES // BLK)


def _dinv_body(d2_ref, dinv_ref):
    deg = d2_ref[0, :] + d2_ref[1, :] + 1.0
    dinv_ref[...] = lax.rsqrt(deg)


_dinv_call = pl.pallas_call(
    _dinv_body,
    grid=(N_BLKS,),
    in_specs=[pl.BlockSpec((NC, BLK), lambda i: (0, i))],
    out_specs=pl.BlockSpec((BLK,), lambda i: (i,)),
    out_shape=jax.ShapeDtypeStruct((N_NODES,), jnp.float32),
)


def _mlp_body(x_ref, dinv_ref, aa_ref, ab_ref, wf_ref, b1_ref, w2_ref,
              b2_ref, o_ref):
    dinv = dinv_ref[...]
    acc = jnp.concatenate([aa_ref[...], ab_ref[:, : C - 16]], axis=1)
    x = x_ref[...]
    z = acc * dinv[:, None] + x * (dinv * dinv)[:, None]
    h = jnp.maximum(jnp.dot(z, wf_ref[...]) + b1_ref[...][None, :], 0.0)
    o_ref[...] = x + jnp.dot(h, w2_ref[...]) + b2_ref[...][None, :]


_mlp_call = pl.pallas_call(
    _mlp_body,
    grid=(N_BLKS,),
    in_specs=[
        pl.BlockSpec((BLK, C), lambda i: (i, 0)),
        pl.BlockSpec((BLK,), lambda i: (i,)),
        pl.BlockSpec((BLK, 16), lambda i: (i, 0)),
        pl.BlockSpec((BLK, 16), lambda i: (i, 0)),
        pl.BlockSpec((C, 32), lambda i: (0, 0)),
        pl.BlockSpec((32,), lambda i: (0,)),
        pl.BlockSpec((32, C), lambda i: (0, 0)),
        pl.BlockSpec((C,), lambda i: (0,)),
    ],
    out_specs=pl.BlockSpec((BLK, C), lambda i: (i, 0)),
    out_shape=jax.ShapeDtypeStruct((N_NODES, C), jnp.float32),
)


def kernel(x, edge_index, W_gcn, W1, b1, W2, b2):
    ei32 = edge_index.astype(jnp.int32)
    Wf = W_gcn @ W1
    zeros1 = jnp.zeros((ROWS_PER_TILE,), jnp.float32)
    zeros2 = jnp.zeros((ROWS_PER_TILE, 16), jnp.float32)
    ones = jnp.ones((B_DEG,), jnp.float32)

    deg2 = _sc_degree(ei32, ones, zeros1)
    dinv = _dinv_call(deg2)
    ga = x[:, :16] * dinv[:, None]
    gb = jnp.pad(x[:, 16:] * dinv[:, None], ((0, 0), (0, 16 - (C - 16))))
    acca, accb = _sc_aggregate(ei32, ga, gb, zeros2)
    return _mlp_call(x, dinv, acca, accb, Wf, b1, W2, b2)

# --- scband reference (transcript-rebuilt; emitter-appended) ---
"""Pipeline reference for scband-graph-nca-28183575396996 (READ-ONLY COPY).

The authoritative reference and input builder live on the scoring server;
editing this copy changes nothing except your own understanding.
"""

import jax, jax.numpy as jnp
import numpy as np

N_NODES = 100000
N_EDGES = 3200000
NUM_CHANNELS = 23  # 3 ops + 2 activations + 16 hidden + 2


def setup_inputs(seed: int = 0) -> dict:
    key = jax.random.key(seed)
    k_x, k_e, k_w, k_w1, k_b1, k_w2, k_b2 = jax.random.split(key, 7)
    x = jax.random.normal(k_x, (N_NODES, NUM_CHANNELS), dtype=jnp.float32)
    edge_index = jax.random.randint(k_e, (2, N_EDGES), 0, N_NODES, dtype=jnp.int64)
    # GCNConv weight: in=23, out=69, no bias
    W_gcn = jax.random.normal(k_w, (NUM_CHANNELS, NUM_CHANNELS * 3), dtype=jnp.float32) * 0.05
    # update_net: Linear(69, 32) -> ReLU -> Linear(32, 23)
    W1 = jax.random.normal(k_w1, (NUM_CHANNELS * 3, 32), dtype=jnp.float32) * 0.05
    b1 = jax.random.normal(k_b1, (32,), dtype=jnp.float32) * 0.05
    W2 = jax.random.normal(k_w2, (32, NUM_CHANNELS), dtype=jnp.float32) * 0.05
    b2 = jax.random.normal(k_b2, (NUM_CHANNELS,), dtype=jnp.float32) * 0.05
    return {"x": x, "edge_index": edge_index, "W_gcn": W_gcn, "W1": W1, "b1": b1, "W2": W2, "b2": b2}


def _gcn_conv(x, edge_index, W, num_nodes):
    # PyG GCNConv with add_self_loops=True, normalize=True, bias=False
    src = edge_index[0]
    dst = edge_index[1]
    loop = jnp.arange(num_nodes, dtype=src.dtype)
    src = jnp.concatenate([src, loop])
    dst = jnp.concatenate([dst, loop])
    deg = jnp.zeros((num_nodes,), dtype=x.dtype).at[dst].add(1.0)
    dinv = jnp.where(deg > 0, 1.0 / jnp.sqrt(deg), 0.0)
    norm = dinv[src] * dinv[dst]
    h = x @ W
    msg = h[src] * norm[:, None]
    out = jnp.zeros((num_nodes, h.shape[1]), dtype=h.dtype).at[dst].add(msg)
    return out


def reference(x, edge_index, W_gcn, W1, b1, W2, b2):
    features = _gcn_conv(x, edge_index, W_gcn, x.shape[0])
    h = jax.nn.relu(features @ W1 + b1)
    update = h @ W2 + b2
    return x + update

if __name__ == "__main__":
    import jax
    _d = setup_inputs()
    print(jax.jit(kernel)(*tuple(_d.values())))

</pallas_src>

<mosaic_0001>
#map = affine_map<(d0, d1) -> (0, 0)>
module attributes {stable_mosaic.version = 14 : i64} {
  func.func @_sc_aggregate(%arg0: i32, %arg1: i32, %arg2: memref<2x3200000xi32, #tpu.memory_space<hbm>>, %arg3: memref<100000x16xf32, #tpu.memory_space<hbm>>, %arg4: memref<100000x16xf32, #tpu.memory_space<hbm>>, %arg5: memref<6304x16xf32, #tpu.memory_space<hbm>>, %arg6: memref<100864x16xf32, #tpu.memory_space<hbm>>, %arg7: memref<100864x16xf32, #tpu.memory_space<hbm>>, %arg8: memref<2x800xi32, #tpu.memory_space<vmem>>, %arg9: memref<2x800xi32, #tpu.memory_space<vmem>>, %arg10: memref<800x16xf32, #tpu.memory_space<vmem>>, %arg11: memref<800x16xf32, #tpu.memory_space<vmem>>, %arg12: memref<!tpu.dma_semaphore, #tpu.memory_space<semaphore_mem>>, %arg13: memref<!tpu.dma_semaphore, #tpu.memory_space<semaphore_mem>>, %arg14: memref<100864x16xf32, #tpu.memory_space<vmem_shared>>) attributes {dimension_semantics = [#tpu.dimension_semantics<core_parallel>, #tpu.dimension_semantics<subcore_parallel>], iteration_bounds = array<i64: 2, 16>, scalar_prefetch = 0 : i64, scratch_operands = 7 : i64, tpu.core_type = #tpu.core_type<sc_vector_subcore>, window_params = [{transform_indices = #map}, {transform_indices = #map}, {transform_indices = #map}, {transform_indices = #map}, {transform_indices = #map}, {transform_indices = #map}]} {
    %mul3A = arith.constant 6304 : i32
    %mul3A_0 = arith.muli %arg1, %mul3A : i32
    "tpu.region"() ({
      %run_scoped3A_30 = tpu.sem_alloc : memref<!tpu.dma_semaphore, #tpu.memory_space<semaphore_mem>>
      %dma_start3A = arith.constant 0 : i32
      %dma_start3A_31 = tpu.memref_slice %arg14[%mul3A_0, %dma_start3A] : memref<100864x16xf32, #tpu.memory_space<vmem_shared>> -> memref<6304x16xf32, #tpu.memory_space<vmem_shared>>
      tpu.enqueue_dma source(%arg5 : memref<6304x16xf32, #tpu.memory_space<hbm>>) target(%dma_start3A_31 : memref<6304x16xf32, #tpu.memory_space<vmem_shared>>) target_semaphore(%run_scoped3A_30 : memref<!tpu.dma_semaphore, #tpu.memory_space<semaphore_mem>>)
      %dma_wait3A = arith.constant 0 : i32
      %dma_wait3A_32 = tpu.memref_slice %arg14[%mul3A_0, %dma_wait3A] : memref<100864x16xf32, #tpu.memory_space<vmem_shared>> -> memref<6304x16xf32, #tpu.memory_space<vmem_shared>>
      tpu.wait_dma2 semaphore(%run_scoped3A_30 : memref<!tpu.dma_semaphore, #tpu.memory_space<semaphore_mem>>) src(%arg5 : memref<6304x16xf32, #tpu.memory_space<hbm>>) dst(%dma_wait3A_32 : memref<6304x16xf32, #tpu.memory_space<vmem_shared>>)
      tpu.yield
    }) : () -> ()
    %barrier3A = arith.constant 0 : index
    tpu.barrier barrier_id(%barrier3A)
    %mul3A_1 = arith.constant 200000 : i32
    %mul3A_2 = arith.muli %arg1, %mul3A_1 : i32
    %add3A = arith.constant 0 : i32
    %add3A_3 = arith.addi %mul3A_2, %add3A : i32
    %run_scoped3A = arith.constant 0 : i32
    %run_scoped3A_4 = arith.constant 0 : i32
    "tpu.region"() ({
      %run_scoped3A_30 = tpu.sem_alloc : memref<!tpu.dma_semaphore, #tpu.memory_space<semaphore_mem>>
      %dma_start3A = arith.constant 0 : i32
      %dma_start3A_31 = tpu.memref_slice %arg8[%run_scoped3A_4, %dma_start3A] : memref<2x800xi32, #tpu.memory_space<vmem>> -> memref<1x800xi32, #tpu.memory_space<vmem>>
      %dma_start3A_32 = tpu.memref_squeeze %dma_start3A_31 : memref<1x800xi32, #tpu.memory_space<vmem>> -> memref<800xi32, #tpu.memory_space<vmem>>
      %dma_start3A_33 = tpu.memref_slice %arg2[%run_scoped3A, %add3A_3] : memref<2x3200000xi32, #tpu.memory_space<hbm>> -> memref<1x800xi32, #tpu.memory_space<hbm>>
      %dma_start3A_34 = tpu.memref_squeeze %dma_start3A_33 : memref<1x800xi32, #tpu.memory_space<hbm>> -> memref<800xi32, #tpu.memory_space<hbm>>
      %dma_start3A_35 = arith.constant 0 : i32
      %dma_start3A_36 = tpu.memref_slice %arg8[%run_scoped3A_4, %dma_start3A_35] : memref<2x800xi32, #tpu.memory_space<vmem>> -> memref<1x800xi32, #tpu.memory_space<vmem>>
      %dma_start3A_37 = tpu.memref_squeeze %dma_start3A_36 : memref<1x800xi32, #tpu.memory_space<vmem>> -> memref<800xi32, #tpu.memory_space<vmem>>
      %dma_start3A_38 = tpu.memref_slice %arg2[%run_scoped3A, %add3A_3] : memref<2x3200000xi32, #tpu.memory_space<hbm>> -> memref<1x800xi32, #tpu.memory_space<hbm>>
      %dma_start3A_39 = tpu.memref_squeeze %dma_start3A_38 : memref<1x800xi32, #tpu.memory_space<hbm>> -> memref<800xi32, #tpu.memory_space<hbm>>
      tpu.enqueue_dma source(%dma_start3A_39 : memref<800xi32, #tpu.memory_space<hbm>>) target(%dma_start3A_37 : memref<800xi32, #tpu.memory_space<vmem>>) target_semaphore(%run_scoped3A_30 : memref<!tpu.dma_semaphore, #tpu.memory_space<semaphore_mem>>)
      %dma_wait3A = arith.constant 0 : i32
      %dma_wait3A_40 = tpu.memref_slice %arg8[%run_scoped3A_4, %dma_wait3A] : memref<2x800xi32, #tpu.memory_space<vmem>> -> memref<1x800xi32, #tpu.memory_space<vmem>>
      %dma_wait3A_41 = tpu.memref_squeeze %dma_wait3A_40 : memref<1x800xi32, #tpu.memory_space<vmem>> -> memref<800xi32, #tpu.memory_space<vmem>>
      %dma_wait3A_42 = tpu.memref_slice %arg2[%run_scoped3A, %add3A_3] : memref<2x3200000xi32, #tpu.memory_space<hbm>> -> memref<1x800xi32, #tpu.memory_space<hbm>>
      %dma_wait3A_43 = tpu.memref_squeeze %dma_wait3A_42 : memref<1x800xi32, #tpu.memory_space<hbm>> -> memref<800xi32, #tpu.memory_space<hbm>>
      %dma_wait3A_44 = arith.constant 0 : i32
      %dma_wait3A_45 = tpu.memref_slice %arg8[%run_scoped3A_4, %dma_wait3A_44] : memref<2x800xi32, #tpu.memory_space<vmem>> -> memref<1x800xi32, #tpu.memory_space<vmem>>
      %dma_wait3A_46 = tpu.memref_squeeze %dma_wait3A_45 : memref<1x800xi32, #tpu.memory_space<vmem>> -> memref<800xi32, #tpu.memory_space<vmem>>
      %dma_wait3A_47 = tpu.memref_slice %arg2[%run_scoped3A, %add3A_3] : memref<2x3200000xi32, #tpu.memory_space<hbm>> -> memref<1x800xi32, #tpu.memory_space<hbm>>
      %dma_wait3A_48 = tpu.memref_squeeze %dma_wait3A_47 : memref<1x800xi32, #tpu.memory_space<hbm>> -> memref<800xi32, #tpu.memory_space<hbm>>
      tpu.wait_dma2 semaphore(%run_scoped3A_30 : memref<!tpu.dma_semaphore, #tpu.memory_space<semaphore_mem>>) src(%dma_wait3A_48 : memref<800xi32, #tpu.memory_space<hbm>>) dst(%dma_wait3A_46 : memref<800xi32, #tpu.memory_space<vmem>>)
      tpu.yield
    }) : () -> ()
    %run_scoped3A_5 = arith.constant 1 : i32
    %run_scoped3A_6 = arith.constant 0 : i32
    "tpu.region"() ({
      %run_scoped3A_30 = tpu.sem_alloc : memref<!tpu.dma_semaphore, #tpu.memory_space<semaphore_mem>>
      %dma_start3A = arith.constant 0 : i32
      %dma_start3A_31 = tpu.memref_slice %arg9[%run_scoped3A_6, %dma_start3A] : memref<2x800xi32, #tpu.memory_space<vmem>> -> memref<1x800xi32, #tpu.memory_space<vmem>>
      %dma_start3A_32 = tpu.memref_squeeze %dma_start3A_31 : memref<1x800xi32, #tpu.memory_space<vmem>> -> memref<800xi32, #tpu.memory_space<vmem>>
      %dma_start3A_33 = tpu.memref_slice %arg2[%run_scoped3A_5, %add3A_3] : memref<2x3200000xi32, #tpu.memory_space<hbm>> -> memref<1x800xi32, #tpu.memory_space<hbm>>
      %dma_start3A_34 = tpu.memref_squeeze %dma_start3A_33 : memref<1x800xi32, #tpu.memory_space<hbm>> -> memref<800xi32, #tpu.memory_space<hbm>>
      %dma_start3A_35 = arith.constant 0 : i32
      %dma_start3A_36 = tpu.memref_slice %arg9[%run_scoped3A_6, %dma_start3A_35] : memref<2x800xi32, #tpu.memory_space<vmem>> -> memref<1x800xi32, #tpu.memory_space<vmem>>
      %dma_start3A_37 = tpu.memref_squeeze %dma_start3A_36 : memref<1x800xi32, #tpu.memory_space<vmem>> -> memref<800xi32, #tpu.memory_space<vmem>>
      %dma_start3A_38 = tpu.memref_slice %arg2[%run_scoped3A_5, %add3A_3] : memref<2x3200000xi32, #tpu.memory_space<hbm>> -> memref<1x800xi32, #tpu.memory_space<hbm>>
      %dma_start3A_39 = tpu.memref_squeeze %dma_start3A_38 : memref<1x800xi32, #tpu.memory_space<hbm>> -> memref<800xi32, #tpu.memory_space<hbm>>
      tpu.enqueue_dma source(%dma_start3A_39 : memref<800xi32, #tpu.memory_space<hbm>>) target(%dma_start3A_37 : memref<800xi32, #tpu.memory_space<vmem>>) target_semaphore(%run_scoped3A_30 : memref<!tpu.dma_semaphore, #tpu.memory_space<semaphore_mem>>)
      %dma_wait3A = arith.constant 0 : i32
      %dma_wait3A_40 = tpu.memref_slice %arg9[%run_scoped3A_6, %dma_wait3A] : memref<2x800xi32, #tpu.memory_space<vmem>> -> memref<1x800xi32, #tpu.memory_space<vmem>>
      %dma_wait3A_41 = tpu.memref_squeeze %dma_wait3A_40 : memref<1x800xi32, #tpu.memory_space<vmem>> -> memref<800xi32, #tpu.memory_space<vmem>>
      %dma_wait3A_42 = tpu.memref_slice %arg2[%run_scoped3A_5, %add3A_3] : memref<2x3200000xi32, #tpu.memory_space<hbm>> -> memref<1x800xi32, #tpu.memory_space<hbm>>
      %dma_wait3A_43 = tpu.memref_squeeze %dma_wait3A_42 : memref<1x800xi32, #tpu.memory_space<hbm>> -> memref<800xi32, #tpu.memory_space<hbm>>
      %dma_wait3A_44 = arith.constant 0 : i32
      %dma_wait3A_45 = tpu.memref_slice %arg9[%run_scoped3A_6, %dma_wait3A_44] : memref<2x800xi32, #tpu.memory_space<vmem>> -> memref<1x800xi32, #tpu.memory_space<vmem>>
      %dma_wait3A_46 = tpu.memref_squeeze %dma_wait3A_45 : memref<1x800xi32, #tpu.memory_space<vmem>> -> memref<800xi32, #tpu.memory_space<vmem>>
      %dma_wait3A_47 = tpu.memref_slice %arg2[%run_scoped3A_5, %add3A_3] : memref<2x3200000xi32, #tpu.memory_space<hbm>> -> memref<1x800xi32, #tpu.memory_space<hbm>>
      %dma_wait3A_48 = tpu.memref_squeeze %dma_wait3A_47 : memref<1x800xi32, #tpu.memory_space<hbm>> -> memref<800xi32, #tpu.memory_space<hbm>>
      tpu.wait_dma2 semaphore(%run_scoped3A_30 : memref<!tpu.dma_semaphore, #tpu.memory_space<semaphore_mem>>) src(%dma_wait3A_48 : memref<800xi32, #tpu.memory_space<hbm>>) dst(%dma_wait3A_46 : memref<800xi32, #tpu.memory_space<vmem>>)
      tpu.yield
    }) : () -> ()
    %eq3A = arith.constant 0 : i32
    %eq3A_7 = arith.cmpi eq, %arg0, %eq3A : i32
    %convert_element_type3A = arith.extui %eq3A_7 : i1 to i32
    %cond3A = arith.constant 0 : i32
    %cond3A_8 = arith.cmpi ne, %convert_element_type3A, %cond3A : i32
    scf.if %cond3A_8 {
      %dma_start3A = arith.constant 0 : i32
      %dma_start3A_30 = arith.constant 0 : i32
      %dma_start3A_31 = tpu.memref_slice %arg8[%dma_start3A, %dma_start3A_30] : memref<2x800xi32, #tpu.memory_space<vmem>> -> memref<1x800xi32, #tpu.memory_space<vmem>>
      %dma_start3A_32 = tpu.memref_squeeze %dma_start3A_31 : memref<1x800xi32, #tpu.memory_space<vmem>> -> memref<800xi32, #tpu.memory_space<vmem>>
      %dma_start3A_33 = arith.constant 0 : i32
      %dma_start3A_34 = arith.constant 0 : i32
      %dma_start3A_35 = tpu.memref_slice %arg3[%dma_start3A_33, %dma_start3A_34] : memref<100000x16xf32, #tpu.memory_space<hbm>> -> memref<100000x16xf32, #tpu.memory_space<hbm>>
      tpu.enqueue_indirect_dma source(%dma_start3A_35 : memref<100000x16xf32, #tpu.memory_space<hbm>>) target(%arg10 : memref<800x16xf32, #tpu.memory_space<vmem>>) offsets(%dma_start3A_32 : memref<800xi32, #tpu.memory_space<vmem>>) semaphore(%arg12 : memref<!tpu.dma_semaphore, #tpu.memory_space<semaphore_mem>>)
    } else {
    }
    %eq3A_9 = arith.constant 1 : i32
    %eq3A_10 = arith.cmpi eq, %arg0, %eq3A_9 : i32
    %convert_element_type3A_11 = arith.extui %eq3A_10 : i1 to i32
    %cond3A_12 = arith.constant 0 : i32
    %cond3A_13 = arith.cmpi ne, %convert_element_type3A_11, %cond3A_12 : i32
    scf.if %cond3A_13 {
      %dma_start3A = arith.constant 0 : i32
      %dma_start3A_30 = arith.constant 0 : i32
      %dma_start3A_31 = tpu.memref_slice %arg8[%dma_start3A, %dma_start3A_30] : memref<2x800xi32, #tpu.memory_space<vmem>> -> memref<1x800xi32, #tpu.memory_space<vmem>>
      %dma_start3A_32 = tpu.memref_squeeze %dma_start3A_31 : memref<1x800xi32, #tpu.memory_space<vmem>> -> memref<800xi32, #tpu.memory_space<vmem>>
      %dma_start3A_33 = arith.constant 0 : i32
      %dma_start3A_34 = arith.constant 0 : i32
      %dma_start3A_35 = tpu.memref_slice %arg4[%dma_start3A_33, %dma_start3A_34] : memref<100000x16xf32, #tpu.memory_space<hbm>> -> memref<100000x16xf32, #tpu.memory_space<hbm>>
      tpu.enqueue_indirect_dma source(%dma_start3A_35 : memref<100000x16xf32, #tpu.memory_space<hbm>>) target(%arg10 : memref<800x16xf32, #tpu.memory_space<vmem>>) offsets(%dma_start3A_32 : memref<800xi32, #tpu.memory_space<vmem>>) semaphore(%arg12 : memref<!tpu.dma_semaphore, #tpu.memory_space<semaphore_mem>>)
    } else {
    }
    %scan3A = arith.constant 0 : i32
    %scan3A_14 = arith.constant 0 : i32
    %scan3A_15 = arith.constant 125 : i32
    %scan3A_16 = arith.addi %scan3A_14, %scan3A_15 : i32
    %scan3A_17 = arith.constant 1 : i32
    scf.for %scan3A_30 = %scan3A_14 to %scan3A_16 step %scan3A_17  : i32 {
      %mul3A_31 = arith.constant 2 : i32
      %mul3A_32 = arith.muli %mul3A_31, %scan3A_30 : i32
      %add3A_33 = arith.constant 0 : i32
      %add3A_34 = arith.addi %mul3A_32, %add3A_33 : i32
      %lt3A = arith.constant 249 : i32
      %lt3A_35 = arith.cmpi slt, %add3A_34, %lt3A : i32
      %convert_element_type3A_36 = arith.extui %lt3A_35 : i1 to i32
      %cond3A_37 = arith.constant 0 : i32
      %cond3A_38 = arith.cmpi ne, %convert_element_type3A_36, %cond3A_37 : i32
      scf.if %cond3A_38 {
        %add3A_63 = arith.constant 1 : i32
        %add3A_64 = arith.addi %add3A_34, %add3A_63 : i32
        %mul3A_65 = arith.constant 800 : i32
        %mul3A_66 = arith.muli %add3A_64, %mul3A_65 : i32
        %add3A_67 = arith.addi %mul3A_2, %mul3A_66 : i32
        %run_scoped3A_68 = arith.constant 0 : i32
        %run_scoped3A_69 = arith.constant 1 : i32
        "tpu.region"() ({
          %run_scoped3A_82 = tpu.sem_alloc : memref<!tpu.dma_semaphore, #tpu.memory_space<semaphore_mem>>
          %dma_start3A = arith.constant 0 : i32
          %dma_start3A_83 = tpu.memref_slice %arg8[%run_scoped3A_69, %dma_start3A] : memref<2x800xi32, #tpu.memory_space<vmem>> -> memref<1x800xi32, #tpu.memory_space<vmem>>
          %dma_start3A_84 = tpu.memref_squeeze %dma_start3A_83 : memref<1x800xi32, #tpu.memory_space<vmem>> -> memref<800xi32, #tpu.memory_space<vmem>>
          %dma_start3A_85 = tpu.memref_slice %arg2[%run_scoped3A_68, %add3A_67] : memref<2x3200000xi32, #tpu.memory_space<hbm>> -> memref<1x800xi32, #tpu.memory_space<hbm>>
          %dma_start3A_86 = tpu.memref_squeeze %dma_start3A_85 : memref<1x800xi32, #tpu.memory_space<hbm>> -> memref<800xi32, #tpu.memory_space<hbm>>
          %dma_start3A_87 = arith.constant 0 : i32
          %dma_start3A_88 = tpu.memref_slice %arg8[%run_scoped3A_69, %dma_start3A_87] : memref<2x800xi32, #tpu.memory_space<vmem>> -> memref<1x800xi32, #tpu.memory_space<vmem>>
          %dma_start3A_89 = tpu.memref_squeeze %dma_start3A_88 : memref<1x800xi32, #tpu.memory_space<vmem>> -> memref<800xi32, #tpu.memory_space<vmem>>
          %dma_start3A_90 = tpu.memref_slice %arg2[%run_scoped3A_68, %add3A_67] : memref<2x3200000xi32, #tpu.memory_space<hbm>> -> memref<1x800xi32, #tpu.memory_space<hbm>>
          %dma_start3A_91 = tpu.memref_squeeze %dma_start3A_90 : memref<1x800xi32, #tpu.memory_space<hbm>> -> memref<800xi32, #tpu.memory_space<hbm>>
          tpu.enqueue_dma source(%dma_start3A_91 : memref<800xi32, #tpu.memory_space<hbm>>) target(%dma_start3A_89 : memref<800xi32, #tpu.memory_space<vmem>>) target_semaphore(%run_scoped3A_82 : memref<!tpu.dma_semaphore, #tpu.memory_space<semaphore_mem>>)
          %dma_wait3A_92 = arith.constant 0 : i32
          %dma_wait3A_93 = tpu.memref_slice %arg8[%run_scoped3A_69, %dma_wait3A_92] : memref<2x800xi32, #tpu.memory_space<vmem>> -> memref<1x800xi32, #tpu.memory_space<vmem>>
          %dma_wait3A_94 = tpu.memref_squeeze %dma_wait3A_93 : memref<1x800xi32, #tpu.memory_space<vmem>> -> memref<800xi32, #tpu.memory_space<vmem>>
          %dma_wait3A_95 = tpu.memref_slice %arg2[%run_scoped3A_68, %add3A_67] : memref<2x3200000xi32, #tpu.memory_space<hbm>> -> memref<1x800xi32, #tpu.memory_space<hbm>>
          %dma_wait3A_96 = tpu.memref_squeeze %dma_wait3A_95 : memref<1x800xi32, #tpu.memory_space<hbm>> -> memref<800xi32, #tpu.memory_space<hbm>>
          %dma_wait3A_97 = arith.constant 0 : i32
          %dma_wait3A_98 = tpu.memref_slice %arg8[%run_scoped3A_69, %dma_wait3A_97] : memref<2x800xi32, #tpu.memory_space<vmem>> -> memref<1x800xi32, #tpu.memory_space<vmem>>
          %dma_wait3A_99 = tpu.memref_squeeze %dma_wait3A_98 : memref<1x800xi32, #tpu.memory_space<vmem>> -> memref<800xi32, #tpu.memory_space<vmem>>
          %dma_wait3A_100 = tpu.memref_slice %arg2[%run_scoped3A_68, %add3A_67] : memref<2x3200000xi32, #tpu.memory_space<hbm>> -> memref<1x800xi32, #tpu.memory_space<hbm>>
          %dma_wait3A_101 = tpu.memref_squeeze %dma_wait3A_100 : memref<1x800xi32, #tpu.memory_space<hbm>> -> memref<800xi32, #tpu.memory_space<hbm>>
          tpu.wait_dma2 semaphore(%run_scoped3A_82 : memref<!tpu.dma_semaphore, #tpu.memory_space<semaphore_mem>>) src(%dma_wait3A_101 : memref<800xi32, #tpu.memory_space<hbm>>) dst(%dma_wait3A_99 : memref<800xi32, #tpu.memory_space<vmem>>)
          tpu.yield
        }) : () -> ()
        %run_scoped3A_70 = arith.constant 1 : i32
        %run_scoped3A_71 = arith.constant 1 : i32
        "tpu.region"() ({
          %run_scoped3A_82 = tpu.sem_alloc : memref<!tpu.dma_semaphore, #tpu.memory_space<semaphore_mem>>
          %dma_start3A = arith.constant 0 : i32
          %dma_start3A_83 = tpu.memref_slice %arg9[%run_scoped3A_71, %dma_start3A] : memref<2x800xi32, #tpu.memory_space<vmem>> -> memref<1x800xi32, #tpu.memory_space<vmem>>
          %dma_start3A_84 = tpu.memref_squeeze %dma_start3A_83 : memref<1x800xi32, #tpu.memory_space<vmem>> -> memref<800xi32, #tpu.memory_space<vmem>>
          %dma_start3A_85 = tpu.memref_slice %arg2[%run_scoped3A_70, %add3A_67] : memref<2x3200000xi32, #tpu.memory_space<hbm>> -> memref<1x800xi32, #tpu.memory_space<hbm>>
          %dma_start3A_86 = tpu.memref_squeeze %dma_start3A_85 : memref<1x800xi32, #tpu.memory_space<hbm>> -> memref<800xi32, #tpu.memory_space<hbm>>
          %dma_start3A_87 = arith.constant 0 : i32
          %dma_start3A_88 = tpu.memref_slice %arg9[%run_scoped3A_71, %dma_start3A_87] : memref<2x800xi32, #tpu.memory_space<vmem>> -> memref<1x800xi32, #tpu.memory_space<vmem>>
          %dma_start3A_89 = tpu.memref_squeeze %dma_start3A_88 : memref<1x800xi32, #tpu.memory_space<vmem>> -> memref<800xi32, #tpu.memory_space<vmem>>
          %dma_start3A_90 = tpu.memref_slice %arg2[%run_scoped3A_70, %add3A_67] : memref<2x3200000xi32, #tpu.memory_space<hbm>> -> memref<1x800xi32, #tpu.memory_space<hbm>>
          %dma_start3A_91 = tpu.memref_squeeze %dma_start3A_90 : memref<1x800xi32, #tpu.memory_space<hbm>> -> memref<800xi32, #tpu.memory_space<hbm>>
          tpu.enqueue_dma source(%dma_start3A_91 : memref<800xi32, #tpu.memory_space<hbm>>) target(%dma_start3A_89 : memref<800xi32, #tpu.memory_space<vmem>>) target_semaphore(%run_scoped3A_82 : memref<!tpu.dma_semaphore, #tpu.memory_space<semaphore_mem>>)
          %dma_wait3A_92 = arith.constant 0 : i32
          %dma_wait3A_93 = tpu.memref_slice %arg9[%run_scoped3A_71, %dma_wait3A_92] : memref<2x800xi32, #tpu.memory_space<vmem>> -> memref<1x800xi32, #tpu.memory_space<vmem>>
          %dma_wait3A_94 = tpu.memref_squeeze %dma_wait3A_93 : memref<1x800xi32, #tpu.memory_space<vmem>> -> memref<800xi32, #tpu.memory_space<vmem>>
          %dma_wait3A_95 = tpu.memref_slice %arg2[%run_scoped3A_70, %add3A_67] : memref<2x3200000xi32, #tpu.memory_space<hbm>> -> memref<1x800xi32, #tpu.memory_space<hbm>>
          %dma_wait3A_96 = tpu.memref_squeeze %dma_wait3A_95 : memref<1x800xi32, #tpu.memory_space<hbm>> -> memref<800xi32, #tpu.memory_space<hbm>>
          %dma_wait3A_97 = arith.constant 0 : i32
          %dma_wait3A_98 = tpu.memref_slice %arg9[%run_scoped3A_71, %dma_wait3A_97] : memref<2x800xi32, #tpu.memory_space<vmem>> -> memref<1x800xi32, #tpu.memory_space<vmem>>
          %dma_wait3A_99 = tpu.memref_squeeze %dma_wait3A_98 : memref<1x800xi32, #tpu.memory_space<vmem>> -> memref<800xi32, #tpu.memory_space<vmem>>
          %dma_wait3A_100 = tpu.memref_slice %arg2[%run_scoped3A_70, %add3A_67] : memref<2x3200000xi32, #tpu.memory_space<hbm>> -> memref<1x800xi32, #tpu.memory_space<hbm>>
          %dma_wait3A_101 = tpu.memref_squeeze %dma_wait3A_100 : memref<1x800xi32, #tpu.memory_space<hbm>> -> memref<800xi32, #tpu.memory_space<hbm>>
          tpu.wait_dma2 semaphore(%run_scoped3A_82 : memref<!tpu.dma_semaphore, #tpu.memory_space<semaphore_mem>>) src(%dma_wait3A_101 : memref<800xi32, #tpu.memory_space<hbm>>) dst(%dma_wait3A_99 : memref<800xi32, #tpu.memory_space<vmem>>)
          tpu.yield
        }) : () -> ()
        %eq3A_72 = arith.constant 0 : i32
        %eq3A_73 = arith.cmpi eq, %arg0, %eq3A_72 : i32
        %convert_element_type3A_74 = arith.extui %eq3A_73 : i1 to i32
        %cond3A_75 = arith.constant 0 : i32
        %cond3A_76 = arith.cmpi ne, %convert_element_type3A_74, %cond3A_75 : i32
        scf.if %cond3A_76 {
          %dma_start3A = arith.constant 1 : i32
          %dma_start3A_82 = arith.constant 0 : i32
          %dma_start3A_83 = tpu.memref_slice %arg8[%dma_start3A, %dma_start3A_82] : memref<2x800xi32, #tpu.memory_space<vmem>> -> memref<1x800xi32, #tpu.memory_space<vmem>>
          %dma_start3A_84 = tpu.memref_squeeze %dma_start3A_83 : memref<1x800xi32, #tpu.memory_space<vmem>> -> memref<800xi32, #tpu.memory_space<vmem>>
          %dma_start3A_85 = arith.constant 0 : i32
          %dma_start3A_86 = arith.constant 0 : i32
          %dma_start3A_87 = tpu.memref_slice %arg3[%dma_start3A_85, %dma_start3A_86] : memref<100000x16xf32, #tpu.memory_space<hbm>> -> memref<100000x16xf32, #tpu.memory_space<hbm>>
          tpu.enqueue_indirect_dma source(%dma_start3A_87 : memref<100000x16xf32, #tpu.memory_space<hbm>>) target(%arg11 : memref<800x16xf32, #tpu.memory_space<vmem>>) offsets(%dma_start3A_84 : memref<800xi32, #tpu.memory_space<vmem>>) semaphore(%arg13 : memref<!tpu.dma_semaphore, #tpu.memory_space<semaphore_mem>>)
        } else {
        }
        %eq3A_77 = arith.constant 1 : i32
        %eq3A_78 = arith.cmpi eq, %arg0, %eq3A_77 : i32
        %convert_element_type3A_79 = arith.extui %eq3A_78 : i1 to i32
        %cond3A_80 = arith.constant 0 : i32
        %cond3A_81 = arith.cmpi ne, %convert_element_type3A_79, %cond3A_80 : i32
        scf.if %cond3A_81 {
          %dma_start3A = arith.constant 1 : i32
          %dma_start3A_82 = arith.constant 0 : i32
          %dma_start3A_83 = tpu.memref_slice %arg8[%dma_start3A, %dma_start3A_82] : memref<2x800xi32, #tpu.memory_space<vmem>> -> memref<1x800xi32, #tpu.memory_space<vmem>>
          %dma_start3A_84 = tpu.memref_squeeze %dma_start3A_83 : memref<1x800xi32, #tpu.memory_space<vmem>> -> memref<800xi32, #tpu.memory_space<vmem>>
          %dma_start3A_85 = arith.constant 0 : i32
          %dma_start3A_86 = arith.constant 0 : i32
          %dma_start3A_87 = tpu.memref_slice %arg4[%dma_start3A_85, %dma_start3A_86] : memref<100000x16xf32, #tpu.memory_space<hbm>> -> memref<100000x16xf32, #tpu.memory_space<hbm>>
          tpu.enqueue_indirect_dma source(%dma_start3A_87 : memref<100000x16xf32, #tpu.memory_space<hbm>>) target(%arg11 : memref<800x16xf32, #tpu.memory_space<vmem>>) offsets(%dma_start3A_84 : memref<800xi32, #tpu.memory_space<vmem>>) semaphore(%arg13 : memref<!tpu.dma_semaphore, #tpu.memory_space<semaphore_mem>>)
        } else {
        }
      } else {
      }
      %dma_wait3A = arith.constant 0 : i32
      %dma_wait3A_39 = arith.constant 0 : i32
      %dma_wait3A_40 = tpu.memref_slice %arg8[%dma_wait3A, %dma_wait3A_39] : memref<2x800xi32, #tpu.memory_space<vmem>> -> memref<1x800xi32, #tpu.memory_space<vmem>>
      %dma_wait3A_41 = tpu.memref_squeeze %dma_wait3A_40 : memref<1x800xi32, #tpu.memory_space<vmem>> -> memref<800xi32, #tpu.memory_space<vmem>>
      %dma_wait3A_42 = arith.constant 0 : i32
      %dma_wait3A_43 = arith.constant 0 : i32
      %dma_wait3A_44 = tpu.memref_slice %arg3[%dma_wait3A_42, %dma_wait3A_43] : memref<100000x16xf32, #tpu.memory_space<hbm>> -> memref<100000x16xf32, #tpu.memory_space<hbm>>
      tpu.wait_indirect_dma semaphore(%arg12 : memref<!tpu.dma_semaphore, #tpu.memory_space<semaphore_mem>>) src(%dma_wait3A_44 : memref<100000x16xf32, #tpu.memory_space<hbm>>) dst(%arg10 : memref<800x16xf32, #tpu.memory_space<vmem>>)
      %run_scoped3A_45 = arith.constant 0 : i32
      "tpu.region"() ({
        %run_scoped3A_63 = tpu.sem_alloc : memref<!tpu.dma_semaphore, #tpu.memory_space<semaphore_mem>>
        %dma_start3A = arith.constant 0 : i32
        %dma_start3A_64 = tpu.memref_slice %arg9[%run_scoped3A_45, %dma_start3A] : memref<2x800xi32, #tpu.memory_space<vmem>> -> memref<1x800xi32, #tpu.memory_space<vmem>>
        %dma_start3A_65 = tpu.memref_squeeze %dma_start3A_64 : memref<1x800xi32, #tpu.memory_space<vmem>> -> memref<800xi32, #tpu.memory_space<vmem>>
        %dma_start3A_66 = arith.constant 0 : i32
        %dma_start3A_67 = arith.constant 0 : i32
        %dma_start3A_68 = tpu.memref_slice %arg14[%dma_start3A_66, %dma_start3A_67] : memref<100864x16xf32, #tpu.memory_space<vmem_shared>> -> memref<100864x16xf32, #tpu.memory_space<vmem_shared>>
        tpu.enqueue_indirect_dma source(%arg10 : memref<800x16xf32, #tpu.memory_space<vmem>>) target(%dma_start3A_68 : memref<100864x16xf32, #tpu.memory_space<vmem_shared>>) offsets(%dma_start3A_65 : memref<800xi32, #tpu.memory_space<vmem>>) semaphore(%run_scoped3A_63 : memref<!tpu.dma_semaphore, #tpu.memory_space<semaphore_mem>>) {add = true}
        %dma_wait3A_69 = arith.constant 0 : i32
        %dma_wait3A_70 = tpu.memref_slice %arg9[%run_scoped3A_45, %dma_wait3A_69] : memref<2x800xi32, #tpu.memory_space<vmem>> -> memref<1x800xi32, #tpu.memory_space<vmem>>
        %dma_wait3A_71 = tpu.memref_squeeze %dma_wait3A_70 : memref<1x800xi32, #tpu.memory_space<vmem>> -> memref<800xi32, #tpu.memory_space<vmem>>
        %dma_wait3A_72 = arith.constant 0 : i32
        %dma_wait3A_73 = arith.constant 0 : i32
        %dma_wait3A_74 = tpu.memref_slice %arg14[%dma_wait3A_72, %dma_wait3A_73] : memref<100864x16xf32, #tpu.memory_space<vmem_shared>> -> memref<100864x16xf32, #tpu.memory_space<vmem_shared>>
        tpu.wait_indirect_dma semaphore(%run_scoped3A_63 : memref<!tpu.dma_semaphore, #tpu.memory_space<semaphore_mem>>) src(%arg10 : memref<800x16xf32, #tpu.memory_space<vmem>>) dst(%dma_wait3A_74 : memref<100864x16xf32, #tpu.memory_space<vmem_shared>>)
        tpu.yield
      }) : () -> ()
      %mul3A_46 = arith.constant 2 : i32
      %mul3A_47 = arith.muli %mul3A_46, %scan3A_30 : i32
      %add3A_48 = arith.constant 1 : i32
      %add3A_49 = arith.addi %mul3A_47, %add3A_48 : i32
      %lt3A_50 = arith.constant 249 : i32
      %lt3A_51 = arith.cmpi slt, %add3A_49, %lt3A_50 : i32
      %convert_element_type3A_52 = arith.extui %lt3A_51 : i1 to i32
      %cond3A_53 = arith.constant 0 : i32
      %cond3A_54 = arith.cmpi ne, %convert_element_type3A_52, %cond3A_53 : i32
      scf.if %cond3A_54 {
        %add3A_63 = arith.constant 1 : i32
        %add3A_64 = arith.addi %add3A_49, %add3A_63 : i32
        %mul3A_65 = arith.constant 800 : i32
        %mul3A_66 = arith.muli %add3A_64, %mul3A_65 : i32
        %add3A_67 = arith.addi %mul3A_2, %mul3A_66 : i32
        %run_scoped3A_68 = arith.constant 0 : i32
        %run_scoped3A_69 = arith.constant 0 : i32
        "tpu.region"() ({
          %run_scoped3A_82 = tpu.sem_alloc : memref<!tpu.dma_semaphore, #tpu.memory_space<semaphore_mem>>
          %dma_start3A = arith.constant 0 : i32
          %dma_start3A_83 = tpu.memref_slice %arg8[%run_scoped3A_69, %dma_start3A] : memref<2x800xi32, #tpu.memory_space<vmem>> -> memref<1x800xi32, #tpu.memory_space<vmem>>
          %dma_start3A_84 = tpu.memref_squeeze %dma_start3A_83 : memref<1x800xi32, #tpu.memory_space<vmem>> -> memref<800xi32, #tpu.memory_space<vmem>>
          %dma_start3A_85 = tpu.memref_slice %arg2[%run_scoped3A_68, %add3A_67] : memref<2x3200000xi32, #tpu.memory_space<hbm>> -> memref<1x800xi32, #tpu.memory_space<hbm>>
          %dma_start3A_86 = tpu.memref_squeeze %dma_start3A_85 : memref<1x800xi32, #tpu.memory_space<hbm>> -> memref<800xi32, #tpu.memory_space<hbm>>
          %dma_start3A_87 = arith.constant 0 : i32
          %dma_start3A_88 = tpu.memref_slice %arg8[%run_scoped3A_69, %dma_start3A_87] : memref<2x800xi32, #tpu.memory_space<vmem>> -> memref<1x800xi32, #tpu.memory_space<vmem>>
          %dma_start3A_89 = tpu.memref_squeeze %dma_start3A_88 : memref<1x800xi32, #tpu.memory_space<vmem>> -> memref<800xi32, #tpu.memory_space<vmem>>
          %dma_start3A_90 = tpu.memref_slice %arg2[%run_scoped3A_68, %add3A_67] : memref<2x3200000xi32, #tpu.memory_space<hbm>> -> memref<1x800xi32, #tpu.memory_space<hbm>>
          %dma_start3A_91 = tpu.memref_squeeze %dma_start3A_90 : memref<1x800xi32, #tpu.memory_space<hbm>> -> memref<800xi32, #tpu.memory_space<hbm>>
          tpu.enqueue_dma source(%dma_start3A_91 : memref<800xi32, #tpu.memory_space<hbm>>) target(%dma_start3A_89 : memref<800xi32, #tpu.memory_space<vmem>>) target_semaphore(%run_scoped3A_82 : memref<!tpu.dma_semaphore, #tpu.memory_space<semaphore_mem>>)
          %dma_wait3A_92 = arith.constant 0 : i32
          %dma_wait3A_93 = tpu.memref_slice %arg8[%run_scoped3A_69, %dma_wait3A_92] : memref<2x800xi32, #tpu.memory_space<vmem>> -> memref<1x800xi32, #tpu.memory_space<vmem>>
          %dma_wait3A_94 = tpu.memref_squeeze %dma_wait3A_93 : memref<1x800xi32, #tpu.memory_space<vmem>> -> memref<800xi32, #tpu.memory_space<vmem>>
          %dma_wait3A_95 = tpu.memref_slice %arg2[%run_scoped3A_68, %add3A_67] : memref<2x3200000xi32, #tpu.memory_space<hbm>> -> memref<1x800xi32, #tpu.memory_space<hbm>>
          %dma_wait3A_96 = tpu.memref_squeeze %dma_wait3A_95 : memref<1x800xi32, #tpu.memory_space<hbm>> -> memref<800xi32, #tpu.memory_space<hbm>>
          %dma_wait3A_97 = arith.constant 0 : i32
          %dma_wait3A_98 = tpu.memref_slice %arg8[%run_scoped3A_69, %dma_wait3A_97] : memref<2x800xi32, #tpu.memory_space<vmem>> -> memref<1x800xi32, #tpu.memory_space<vmem>>
          %dma_wait3A_99 = tpu.memref_squeeze %dma_wait3A_98 : memref<1x800xi32, #tpu.memory_space<vmem>> -> memref<800xi32, #tpu.memory_space<vmem>>
          %dma_wait3A_100 = tpu.memref_slice %arg2[%run_scoped3A_68, %add3A_67] : memref<2x3200000xi32, #tpu.memory_space<hbm>> -> memref<1x800xi32, #tpu.memory_space<hbm>>
          %dma_wait3A_101 = tpu.memref_squeeze %dma_wait3A_100 : memref<1x800xi32, #tpu.memory_space<hbm>> -> memref<800xi32, #tpu.memory_space<hbm>>
          tpu.wait_dma2 semaphore(%run_scoped3A_82 : memref<!tpu.dma_semaphore, #tpu.memory_space<semaphore_mem>>) src(%dma_wait3A_101 : memref<800xi32, #tpu.memory_space<hbm>>) dst(%dma_wait3A_99 : memref<800xi32, #tpu.memory_space<vmem>>)
          tpu.yield
        }) : () -> ()
        %run_scoped3A_70 = arith.constant 1 : i32
        %run_scoped3A_71 = arith.constant 0 : i32
        "tpu.region"() ({
          %run_scoped3A_82 = tpu.sem_alloc : memref<!tpu.dma_semaphore, #tpu.memory_space<semaphore_mem>>
          %dma_start3A = arith.constant 0 : i32
          %dma_start3A_83 = tpu.memref_slice %arg9[%run_scoped3A_71, %dma_start3A] : memref<2x800xi32, #tpu.memory_space<vmem>> -> memref<1x800xi32, #tpu.memory_space<vmem>>
          %dma_start3A_84 = tpu.memref_squeeze %dma_start3A_83 : memref<1x800xi32, #tpu.memory_space<vmem>> -> memref<800xi32, #tpu.memory_space<vmem>>
          %dma_start3A_85 = tpu.memref_slice %arg2[%run_scoped3A_70, %add3A_67] : memref<2x3200000xi32, #tpu.memory_space<hbm>> -> memref<1x800xi32, #tpu.memory_space<hbm>>
          %dma_start3A_86 = tpu.memref_squeeze %dma_start3A_85 : memref<1x800xi32, #tpu.memory_space<hbm>> -> memref<800xi32, #tpu.memory_space<hbm>>
          %dma_start3A_87 = arith.constant 0 : i32
          %dma_start3A_88 = tpu.memref_slice %arg9[%run_scoped3A_71, %dma_start3A_87] : memref<2x800xi32, #tpu.memory_space<vmem>> -> memref<1x800xi32, #tpu.memory_space<vmem>>
          %dma_start3A_89 = tpu.memref_squeeze %dma_start3A_88 : memref<1x800xi32, #tpu.memory_space<vmem>> -> memref<800xi32, #tpu.memory_space<vmem>>
          %dma_start3A_90 = tpu.memref_slice %arg2[%run_scoped3A_70, %add3A_67] : memref<2x3200000xi32, #tpu.memory_space<hbm>> -> memref<1x800xi32, #tpu.memory_space<hbm>>
          %dma_start3A_91 = tpu.memref_squeeze %dma_start3A_90 : memref<1x800xi32, #tpu.memory_space<hbm>> -> memref<800xi32, #tpu.memory_space<hbm>>
          tpu.enqueue_dma source(%dma_start3A_91 : memref<800xi32, #tpu.memory_space<hbm>>) target(%dma_start3A_89 : memref<800xi32, #tpu.memory_space<vmem>>) target_semaphore(%run_scoped3A_82 : memref<!tpu.dma_semaphore, #tpu.memory_space<semaphore_mem>>)
          %dma_wait3A_92 = arith.constant 0 : i32
          %dma_wait3A_93 = tpu.memref_slice %arg9[%run_scoped3A_71, %dma_wait3A_92] : memref<2x800xi32, #tpu.memory_space<vmem>> -> memref<1x800xi32, #tpu.memory_space<vmem>>
          %dma_wait3A_94 = tpu.memref_squeeze %dma_wait3A_93 : memref<1x800xi32, #tpu.memory_space<vmem>> -> memref<800xi32, #tpu.memory_space<vmem>>
          %dma_wait3A_95 = tpu.memref_slice %arg2[%run_scoped3A_70, %add3A_67] : memref<2x3200000xi32, #tpu.memory_space<hbm>> -> memref<1x800xi32, #tpu.memory_space<hbm>>
          %dma_wait3A_96 = tpu.memref_squeeze %dma_wait3A_95 : memref<1x800xi32, #tpu.memory_space<hbm>> -> memref<800xi32, #tpu.memory_space<hbm>>
          %dma_wait3A_97 = arith.constant 0 : i32
          %dma_wait3A_98 = tpu.memref_slice %arg9[%run_scoped3A_71, %dma_wait3A_97] : memref<2x800xi32, #tpu.memory_space<vmem>> -> memref<1x800xi32, #tpu.memory_space<vmem>>
          %dma_wait3A_99 = tpu.memref_squeeze %dma_wait3A_98 : memref<1x800xi32, #tpu.memory_space<vmem>> -> memref<800xi32, #tpu.memory_space<vmem>>
          %dma_wait3A_100 = tpu.memref_slice %arg2[%run_scoped3A_70, %add3A_67] : memref<2x3200000xi32, #tpu.memory_space<hbm>> -> memref<1x800xi32, #tpu.memory_space<hbm>>
          %dma_wait3A_101 = tpu.memref_squeeze %dma_wait3A_100 : memref<1x800xi32, #tpu.memory_space<hbm>> -> memref<800xi32, #tpu.memory_space<hbm>>
          tpu.wait_dma2 semaphore(%run_scoped3A_82 : memref<!tpu.dma_semaphore, #tpu.memory_space<semaphore_mem>>) src(%dma_wait3A_101 : memref<800xi32, #tpu.memory_space<hbm>>) dst(%dma_wait3A_99 : memref<800xi32, #tpu.memory_space<vmem>>)
          tpu.yield
        }) : () -> ()
        %eq3A_72 = arith.constant 0 : i32
        %eq3A_73 = arith.cmpi eq, %arg0, %eq3A_72 : i32
        %convert_element_type3A_74 = arith.extui %eq3A_73 : i1 to i32
        %cond3A_75 = arith.constant 0 : i32
        %cond3A_76 = arith.cmpi ne, %convert_element_type3A_74, %cond3A_75 : i32
        scf.if %cond3A_76 {
          %dma_start3A = arith.constant 0 : i32
          %dma_start3A_82 = arith.constant 0 : i32
          %dma_start3A_83 = tpu.memref_slice %arg8[%dma_start3A, %dma_start3A_82] : memref<2x800xi32, #tpu.memory_space<vmem>> -> memref<1x800xi32, #tpu.memory_space<vmem>>
          %dma_start3A_84 = tpu.memref_squeeze %dma_start3A_83 : memref<1x800xi32, #tpu.memory_space<vmem>> -> memref<800xi32, #tpu.memory_space<vmem>>
          %dma_start3A_85 = arith.constant 0 : i32
          %dma_start3A_86 = arith.constant 0 : i32
          %dma_start3A_87 = tpu.memref_slice %arg3[%dma_start3A_85, %dma_start3A_86] : memref<100000x16xf32, #tpu.memory_space<hbm>> -> memref<100000x16xf32, #tpu.memory_space<hbm>>
          tpu.enqueue_indirect_dma source(%dma_start3A_87 : memref<100000x16xf32, #tpu.memory_space<hbm>>) target(%arg10 : memref<800x16xf32, #tpu.memory_space<vmem>>) offsets(%dma_start3A_84 : memref<800xi32, #tpu.memory_space<vmem>>) semaphore(%arg12 : memref<!tpu.dma_semaphore, #tpu.memory_space<semaphore_mem>>)
        } else {
        }
        %eq3A_77 = arith.constant 1 : i32
        %eq3A_78 = arith.cmpi eq, %arg0, %eq3A_77 : i32
        %convert_element_type3A_79 = arith.extui %eq3A_78 : i1 to i32
        %cond3A_80 = arith.constant 0 : i32
        %cond3A_81 = arith.cmpi ne, %convert_element_type3A_79, %cond3A_80 : i32
        scf.if %cond3A_81 {
          %dma_start3A = arith.constant 0 : i32
          %dma_start3A_82 = arith.constant 0 : i32
          %dma_start3A_83 = tpu.memref_slice %arg8[%dma_start3A, %dma_start3A_82] : memref<2x800xi32, #tpu.memory_space<vmem>> -> memref<1x800xi32, #tpu.memory_space<vmem>>
          %dma_start3A_84 = tpu.memref_squeeze %dma_start3A_83 : memref<1x800xi32, #tpu.memory_space<vmem>> -> memref<800xi32, #tpu.memory_space<vmem>>
          %dma_start3A_85 = arith.constant 0 : i32
          %dma_start3A_86 = arith.constant 0 : i32
          %dma_start3A_87 = tpu.memref_slice %arg4[%dma_start3A_85, %dma_start3A_86] : memref<100000x16xf32, #tpu.memory_space<hbm>> -> memref<100000x16xf32, #tpu.memory_space<hbm>>
          tpu.enqueue_indirect_dma source(%dma_start3A_87 : memref<100000x16xf32, #tpu.memory_space<hbm>>) target(%arg10 : memref<800x16xf32, #tpu.memory_space<vmem>>) offsets(%dma_start3A_84 : memref<800xi32, #tpu.memory_space<vmem>>) semaphore(%arg12 : memref<!tpu.dma_semaphore, #tpu.memory_space<semaphore_mem>>)
        } else {
        }
      } else {
      }
      %dma_wait3A_55 = arith.constant 1 : i32
      %dma_wait3A_56 = arith.constant 0 : i32
      %dma_wait3A_57 = tpu.memref_slice %arg8[%dma_wait3A_55, %dma_wait3A_56] : memref<2x800xi32, #tpu.memory_space<vmem>> -> memref<1x800xi32, #tpu.memory_space<vmem>>
      %dma_wait3A_58 = tpu.memref_squeeze %dma_wait3A_57 : memref<1x800xi32, #tpu.memory_space<vmem>> -> memref<800xi32, #tpu.memory_space<vmem>>
      %dma_wait3A_59 = arith.constant 0 : i32
      %dma_wait3A_60 = arith.constant 0 : i32
      %dma_wait3A_61 = tpu.memref_slice %arg3[%dma_wait3A_59, %dma_wait3A_60] : memref<100000x16xf32, #tpu.memory_space<hbm>> -> memref<100000x16xf32, #tpu.memory_space<hbm>>
      tpu.wait_indirect_dma semaphore(%arg13 : memref<!tpu.dma_semaphore, #tpu.memory_space<semaphore_mem>>) src(%dma_wait3A_61 : memref<100000x16xf32, #tpu.memory_space<hbm>>) dst(%arg11 : memref<800x16xf32, #tpu.memory_space<vmem>>)
      %run_scoped3A_62 = arith.constant 1 : i32
      "tpu.region"() ({
        %run_scoped3A_63 = tpu.sem_alloc : memref<!tpu.dma_semaphore, #tpu.memory_space<semaphore_mem>>
        %dma_start3A = arith.constant 0 : i32
        %dma_start3A_64 = tpu.memref_slice %arg9[%run_scoped3A_62, %dma_start3A] : memref<2x800xi32, #tpu.memory_space<vmem>> -> memref<1x800xi32, #tpu.memory_space<vmem>>
        %dma_start3A_65 = tpu.memref_squeeze %dma_start3A_64 : memref<1x800xi32, #tpu.memory_space<vmem>> -> memref<800xi32, #tpu.memory_space<vmem>>
        %dma_start3A_66 = arith.constant 0 : i32
        %dma_start3A_67 = arith.constant 0 : i32
        %dma_start3A_68 = tpu.memref_slice %arg14[%dma_start3A_66, %dma_start3A_67] : memref<100864x16xf32, #tpu.memory_space<vmem_shared>> -> memref<100864x16xf32, #tpu.memory_space<vmem_shared>>
        tpu.enqueue_indirect_dma source(%arg11 : memref<800x16xf32, #tpu.memory_space<vmem>>) target(%dma_start3A_68 : memref<100864x16xf32, #tpu.memory_space<vmem_shared>>) offsets(%dma_start3A_65 : memref<800xi32, #tpu.memory_space<vmem>>) semaphore(%run_scoped3A_63 : memref<!tpu.dma_semaphore, #tpu.memory_space<semaphore_mem>>) {add = true}
        %dma_wait3A_69 = arith.constant 0 : i32
        %dma_wait3A_70 = tpu.memref_slice %arg9[%run_scoped3A_62, %dma_wait3A_69] : memref<2x800xi32, #tpu.memory_space<vmem>> -> memref<1x800xi32, #tpu.memory_space<vmem>>
        %dma_wait3A_71 = tpu.memref_squeeze %dma_wait3A_70 : memref<1x800xi32, #tpu.memory_space<vmem>> -> memref<800xi32, #tpu.memory_space<vmem>>
        %dma_wait3A_72 = arith.constant 0 : i32
        %dma_wait3A_73 = arith.constant 0 : i32
        %dma_wait3A_74 = tpu.memref_slice %arg14[%dma_wait3A_72, %dma_wait3A_73] : memref<100864x16xf32, #tpu.memory_space<vmem_shared>> -> memref<100864x16xf32, #tpu.memory_space<vmem_shared>>
        tpu.wait_indirect_dma semaphore(%run_scoped3A_63 : memref<!tpu.dma_semaphore, #tpu.memory_space<semaphore_mem>>) src(%arg11 : memref<800x16xf32, #tpu.memory_space<vmem>>) dst(%dma_wait3A_74 : memref<100864x16xf32, #tpu.memory_space<vmem_shared>>)
        tpu.yield
      }) : () -> ()
    }
    %scan3A_18 = arith.constant 125 : i32
    %barrier3A_19 = arith.constant 0 : index
    tpu.barrier barrier_id(%barrier3A_19)
    %eq3A_20 = arith.constant 0 : i32
    %eq3A_21 = arith.cmpi eq, %arg0, %eq3A_20 : i32
    %convert_element_type3A_22 = arith.extui %eq3A_21 : i1 to i32
    %cond3A_23 = arith.constant 0 : i32
    %cond3A_24 = arith.cmpi ne, %convert_element_type3A_22, %cond3A_23 : i32
    scf.if %cond3A_24 {
      "tpu.region"() ({
        %run_scoped3A_30 = tpu.sem_alloc : memref<!tpu.dma_semaphore, #tpu.memory_space<semaphore_mem>>
        %dma_start3A = arith.constant 0 : i32
        %dma_start3A_31 = tpu.memref_slice %arg6[%mul3A_0, %dma_start3A] : memref<100864x16xf32, #tpu.memory_space<hbm>> -> memref<6304x16xf32, #tpu.memory_space<hbm>>
        %dma_start3A_32 = arith.constant 0 : i32
        %dma_start3A_33 = tpu.memref_slice %arg14[%mul3A_0, %dma_start3A_32] : memref<100864x16xf32, #tpu.memory_space<vmem_shared>> -> memref<6304x16xf32, #tpu.memory_space<vmem_shared>>
        tpu.enqueue_dma source(%dma_start3A_33 : memref<6304x16xf32, #tpu.memory_space<vmem_shared>>) target(%dma_start3A_31 : memref<6304x16xf32, #tpu.memory_space<hbm>>) target_semaphore(%run_scoped3A_30 : memref<!tpu.dma_semaphore, #tpu.memory_space<semaphore_mem>>)
        %dma_wait3A = arith.constant 0 : i32
        %dma_wait3A_34 = tpu.memref_slice %arg6[%mul3A_0, %dma_wait3A] : memref<100864x16xf32, #tpu.memory_space<hbm>> -> memref<6304x16xf32, #tpu.memory_space<hbm>>
        %dma_wait3A_35 = arith.constant 0 : i32
        %dma_wait3A_36 = tpu.memref_slice %arg14[%mul3A_0, %dma_wait3A_35] : memref<100864x16xf32, #tpu.memory_space<vmem_shared>> -> memref<6304x16xf32, #tpu.memory_space<vmem_shared>>
        tpu.wait_dma2 semaphore(%run_scoped3A_30 : memref<!tpu.dma_semaphore, #tpu.memory_space<semaphore_mem>>) src(%dma_wait3A_36 : memref<6304x16xf32, #tpu.memory_space<vmem_shared>>) dst(%dma_wait3A_34 : memref<6304x16xf32, #tpu.memory_space<hbm>>)
        tpu.yield
      }) : () -> ()
    } else {
    }
    %eq3A_25 = arith.constant 1 : i32
    %eq3A_26 = arith.cmpi eq, %arg0, %eq3A_25 : i32
    %convert_element_type3A_27 = arith.extui %eq3A_26 : i1 to i32
    %cond3A_28 = arith.constant 0 : i32
    %cond3A_29 = arith.cmpi ne, %convert_element_type3A_27, %cond3A_28 : i32
    scf.if %cond3A_29 {
      "tpu.region"() ({
        %run_scoped3A_30 = tpu.sem_alloc : memref<!tpu.dma_semaphore, #tpu.memory_space<semaphore_mem>>
        %dma_start3A = arith.constant 0 : i32
        %dma_start3A_31 = tpu.memref_slice %arg7[%mul3A_0, %dma_start3A] : memref<100864x16xf32, #tpu.memory_space<hbm>> -> memref<6304x16xf32, #tpu.memory_space<hbm>>
        %dma_start3A_32 = arith.constant 0 : i32
        %dma_start3A_33 = tpu.memref_slice %arg14[%mul3A_0, %dma_start3A_32] : memref<100864x16xf32, #tpu.memory_space<vmem_shared>> -> memref<6304x16xf32, #tpu.memory_space<vmem_shared>>
        tpu.enqueue_dma source(%dma_start3A_33 : memref<6304x16xf32, #tpu.memory_space<vmem_shared>>) target(%dma_start3A_31 : memref<6304x16xf32, #tpu.memory_space<hbm>>) target_semaphore(%run_scoped3A_30 : memref<!tpu.dma_semaphore, #tpu.memory_space<semaphore_mem>>)
        %dma_wait3A = arith.constant 0 : i32
        %dma_wait3A_34 = tpu.memref_slice %arg7[%mul3A_0, %dma_wait3A] : memref<100864x16xf32, #tpu.memory_space<hbm>> -> memref<6304x16xf32, #tpu.memory_space<hbm>>
        %dma_wait3A_35 = arith.constant 0 : i32
        %dma_wait3A_36 = tpu.memref_slice %arg14[%mul3A_0, %dma_wait3A_35] : memref<100864x16xf32, #tpu.memory_space<vmem_shared>> -> memref<6304x16xf32, #tpu.memory_space<vmem_shared>>
        tpu.wait_dma2 semaphore(%run_scoped3A_30 : memref<!tpu.dma_semaphore, #tpu.memory_space<semaphore_mem>>) src(%dma_wait3A_36 : memref<6304x16xf32, #tpu.memory_space<vmem_shared>>) dst(%dma_wait3A_34 : memref<6304x16xf32, #tpu.memory_space<hbm>>)
        tpu.yield
      }) : () -> ()
    } else {
    }
    return
  }
}

#map = affine_map<(d0, d1) -> (0, 0)>
#map1 = affine_map<(d0, d1) -> (0)>
module attributes {stable_mosaic.version = 14 : i64} {
  func.func @_sc_degree(%arg0: i32, %arg1: i32, %arg2: memref<2x3200000xi32, #tpu.memory_space<hbm>>, %arg3: memref<5000xf32, #tpu.memory_space<hbm>>, %arg4: memref<6304xf32, #tpu.memory_space<hbm>>, %arg5: memref<2x100864xf32, #tpu.memory_space<hbm>>, %arg6: memref<5000xi32, #tpu.memory_space<vmem>>, %arg7: memref<5000xf32, #tpu.memory_space<vmem>>, %arg8: memref<100864xf32, #tpu.memory_space<vmem_shared>>) attributes {dimension_semantics = [#tpu.dimension_semantics<core_parallel>, #tpu.dimension_semantics<subcore_parallel>], iteration_bounds = array<i64: 2, 16>, scalar_prefetch = 0 : i64, scratch_operands = 3 : i64, tpu.core_type = #tpu.core_type<sc_vector_subcore>, window_params = [{transform_indices = #map}, {transform_indices = #map1}, {transform_indices = #map1}, {transform_indices = #map}]} {
    %mul3A = arith.constant 6304 : i32
    %mul3A_0 = arith.muli %arg1, %mul3A : i32
    "tpu.region"() ({
      %run_scoped3A = tpu.sem_alloc : memref<!tpu.dma_semaphore, #tpu.memory_space<semaphore_mem>>
      %dma_start3A = tpu.memref_slice %arg8[%mul3A_0] : memref<100864xf32, #tpu.memory_space<vmem_shared>> -> memref<6304xf32, #tpu.memory_space<vmem_shared>>
      tpu.enqueue_dma source(%arg4 : memref<6304xf32, #tpu.memory_space<hbm>>) target(%dma_start3A : memref<6304xf32, #tpu.memory_space<vmem_shared>>) target_semaphore(%run_scoped3A : memref<!tpu.dma_semaphore, #tpu.memory_space<semaphore_mem>>)
      %dma_wait3A = tpu.memref_slice %arg8[%mul3A_0] : memref<100864xf32, #tpu.memory_space<vmem_shared>> -> memref<6304xf32, #tpu.memory_space<vmem_shared>>
      tpu.wait_dma2 semaphore(%run_scoped3A : memref<!tpu.dma_semaphore, #tpu.memory_space<semaphore_mem>>) src(%arg4 : memref<6304xf32, #tpu.memory_space<hbm>>) dst(%dma_wait3A : memref<6304xf32, #tpu.memory_space<vmem_shared>>)
      tpu.yield
    }) : () -> ()
    "tpu.region"() ({
      %run_scoped3A = tpu.sem_alloc : memref<!tpu.dma_semaphore, #tpu.memory_space<semaphore_mem>>
      tpu.enqueue_dma source(%arg3 : memref<5000xf32, #tpu.memory_space<hbm>>) target(%arg7 : memref<5000xf32, #tpu.memory_space<vmem>>) target_semaphore(%run_scoped3A : memref<!tpu.dma_semaphore, #tpu.memory_space<semaphore_mem>>)
      tpu.wait_dma2 semaphore(%run_scoped3A : memref<!tpu.dma_semaphore, #tpu.memory_space<semaphore_mem>>) src(%arg3 : memref<5000xf32, #tpu.memory_space<hbm>>) dst(%arg7 : memref<5000xf32, #tpu.memory_space<vmem>>)
      tpu.yield
    }) : () -> ()
    %barrier3A = arith.constant 0 : index
    tpu.barrier barrier_id(%barrier3A)
    %mul3A_1 = arith.constant 16 : i32
    %mul3A_2 = arith.muli %arg0, %mul3A_1 : i32
    %add3A = arith.addi %mul3A_2, %arg1 : i32
    %mul3A_3 = arith.constant 100000 : i32
    %mul3A_4 = arith.muli %add3A, %mul3A_3 : i32
    %scan3A = arith.constant 0 : i32
    %scan3A_5 = arith.constant 0 : i32
    %scan3A_6 = arith.constant 20 : i32
    %scan3A_7 = arith.addi %scan3A_5, %scan3A_6 : i32
    %scan3A_8 = arith.constant 1 : i32
    scf.for %scan3A_11 = %scan3A_5 to %scan3A_7 step %scan3A_8  : i32 {
      %mul3A_12 = arith.constant 5000 : i32
      %mul3A_13 = arith.muli %scan3A_11, %mul3A_12 : i32
      %add3A_14 = arith.addi %mul3A_4, %mul3A_13 : i32
      %run_scoped3A = arith.constant 1 : i32
      "tpu.region"() ({
        %run_scoped3A_15 = tpu.sem_alloc : memref<!tpu.dma_semaphore, #tpu.memory_space<semaphore_mem>>
        %dma_start3A = tpu.memref_slice %arg2[%run_scoped3A, %add3A_14] : memref<2x3200000xi32, #tpu.memory_space<hbm>> -> memref<1x5000xi32, #tpu.memory_space<hbm>>
        %dma_start3A_16 = tpu.memref_squeeze %dma_start3A : memref<1x5000xi32, #tpu.memory_space<hbm>> -> memref<5000xi32, #tpu.memory_space<hbm>>
        %dma_start3A_17 = tpu.memref_slice %arg2[%run_scoped3A, %add3A_14] : memref<2x3200000xi32, #tpu.memory_space<hbm>> -> memref<1x5000xi32, #tpu.memory_space<hbm>>
        %dma_start3A_18 = tpu.memref_squeeze %dma_start3A_17 : memref<1x5000xi32, #tpu.memory_space<hbm>> -> memref<5000xi32, #tpu.memory_space<hbm>>
        tpu.enqueue_dma source(%dma_start3A_18 : memref<5000xi32, #tpu.memory_space<hbm>>) target(%arg6 : memref<5000xi32, #tpu.memory_space<vmem>>) target_semaphore(%run_scoped3A_15 : memref<!tpu.dma_semaphore, #tpu.memory_space<semaphore_mem>>)
        %dma_wait3A = tpu.memref_slice %arg2[%run_scoped3A, %add3A_14] : memref<2x3200000xi32, #tpu.memory_space<hbm>> -> memref<1x5000xi32, #tpu.memory_space<hbm>>
        %dma_wait3A_19 = tpu.memref_squeeze %dma_wait3A : memref<1x5000xi32, #tpu.memory_space<hbm>> -> memref<5000xi32, #tpu.memory_space<hbm>>
        %dma_wait3A_20 = tpu.memref_slice %arg2[%run_scoped3A, %add3A_14] : memref<2x3200000xi32, #tpu.memory_space<hbm>> -> memref<1x5000xi32, #tpu.memory_space<hbm>>
        %dma_wait3A_21 = tpu.memref_squeeze %dma_wait3A_20 : memref<1x5000xi32, #tpu.memory_space<hbm>> -> memref<5000xi32, #tpu.memory_space<hbm>>
        tpu.wait_dma2 semaphore(%run_scoped3A_15 : memref<!tpu.dma_semaphore, #tpu.memory_space<semaphore_mem>>) src(%dma_wait3A_21 : memref<5000xi32, #tpu.memory_space<hbm>>) dst(%arg6 : memref<5000xi32, #tpu.memory_space<vmem>>)
        tpu.yield
      }) : () -> ()
      "tpu.region"() ({
        %run_scoped3A_15 = tpu.sem_alloc : memref<!tpu.dma_semaphore, #tpu.memory_space<semaphore_mem>>
        %dma_start3A = arith.constant 0 : i32
        %dma_start3A_16 = tpu.memref_slice %arg8[%dma_start3A] : memref<100864xf32, #tpu.memory_space<vmem_shared>> -> memref<100864xf32, #tpu.memory_space<vmem_shared>>
        tpu.enqueue_indirect_dma source(%arg7 : memref<5000xf32, #tpu.memory_space<vmem>>) target(%dma_start3A_16 : memref<100864xf32, #tpu.memory_space<vmem_shared>>) offsets(%arg6 : memref<5000xi32, #tpu.memory_space<vmem>>) semaphore(%run_scoped3A_15 : memref<!tpu.dma_semaphore, #tpu.memory_space<semaphore_mem>>) {add = true}
        %dma_wait3A = arith.constant 0 : i32
        %dma_wait3A_17 = tpu.memref_slice %arg8[%dma_wait3A] : memref<100864xf32, #tpu.memory_space<vmem_shared>> -> memref<100864xf32, #tpu.memory_space<vmem_shared>>
        tpu.wait_indirect_dma semaphore(%run_scoped3A_15 : memref<!tpu.dma_semaphore, #tpu.memory_space<semaphore_mem>>) src(%arg7 : memref<5000xf32, #tpu.memory_space<vmem>>) dst(%dma_wait3A_17 : memref<100864xf32, #tpu.memory_space<vmem_shared>>)
        tpu.yield
      }) : () -> ()
    }
    %scan3A_9 = arith.constant 20 : i32
    %barrier3A_10 = arith.constant 0 : index
    tpu.barrier barrier_id(%barrier3A_10)
    "tpu.region"() ({
      %run_scoped3A = tpu.sem_alloc : memref<!tpu.dma_semaphore, #tpu.memory_space<semaphore_mem>>
      %dma_start3A = tpu.memref_slice %arg5[%arg0, %mul3A_0] : memref<2x100864xf32, #tpu.memory_space<hbm>> -> memref<1x6304xf32, #tpu.memory_space<hbm>>
      %dma_start3A_11 = tpu.memref_squeeze %dma_start3A : memref<1x6304xf32, #tpu.memory_space<hbm>> -> memref<6304xf32, #tpu.memory_space<hbm>>
      %dma_start3A_12 = tpu.memref_slice %arg8[%mul3A_0] : memref<100864xf32, #tpu.memory_space<vmem_shared>> -> memref<6304xf32, #tpu.memory_space<vmem_shared>>
      tpu.enqueue_dma source(%dma_start3A_12 : memref<6304xf32, #tpu.memory_space<vmem_shared>>) target(%dma_start3A_11 : memref<6304xf32, #tpu.memory_space<hbm>>) target_semaphore(%run_scoped3A : memref<!tpu.dma_semaphore, #tpu.memory_space<semaphore_mem>>)
      %dma_wait3A = tpu.memref_slice %arg5[%arg0, %mul3A_0] : memref<2x100864xf32, #tpu.memory_space<hbm>> -> memref<1x6304xf32, #tpu.memory_space<hbm>>
      %dma_wait3A_13 = tpu.memref_squeeze %dma_wait3A : memref<1x6304xf32, #tpu.memory_space<hbm>> -> memref<6304xf32, #tpu.memory_space<hbm>>
      %dma_wait3A_14 = tpu.memref_slice %arg8[%mul3A_0] : memref<100864xf32, #tpu.memory_space<vmem_shared>> -> memref<6304xf32, #tpu.memory_space<vmem_shared>>
      tpu.wait_dma2 semaphore(%run_scoped3A : memref<!tpu.dma_semaphore, #tpu.memory_space<semaphore_mem>>) src(%dma_wait3A_14 : memref<6304xf32, #tpu.memory_space<vmem_shared>>) dst(%dma_wait3A_13 : memref<6304xf32, #tpu.memory_space<hbm>>)
      tpu.yield
    }) : () -> ()
    return
  }
}

module attributes {stable_mosaic.version = 14 : i64} {
  func.func @_dinv_body(%arg0: i32, %arg1: memref<2x2048xf32, #tpu.memory_space<vmem>>, %arg2: memref<2048xf32, #tpu.memory_space<vmem>>) attributes {dimension_semantics = [#tpu.dimension_semantics<arbitrary>], iteration_bounds = array<i64: 49>, scalar_prefetch = 0 : i64, scratch_operands = 0 : i64, tpu.core_type = #tpu.core_type<tc>, window_params = [{transform_indices = @transform_0, window_bounds = array<i64: 2, 2048>}, {transform_indices = @transform_1, window_bounds = array<i64: 2048>}]} {
    %get3A = arith.constant 0 : index
    %get3A_0 = arith.constant 0 : index
    %get3A_1 = vector.load %arg1[%get3A, %get3A_0] : memref<2x2048xf32, #tpu.memory_space<vmem>>, vector<1x2048xf32>
    %get3A_2 = vector.shape_cast %get3A_1 : vector<1x2048xf32> to vector<2048xf32>
    %get3A_3 = arith.constant 1 : index
    %get3A_4 = arith.constant 0 : index
    %get3A_5 = vector.load %arg1[%get3A_3, %get3A_4] : memref<2x2048xf32, #tpu.memory_space<vmem>>, vector<1x2048xf32>
    %get3A_6 = vector.shape_cast %get3A_5 : vector<1x2048xf32> to vector<2048xf32>
    %add3A = arith.addf %get3A_2, %get3A_6 : vector<2048xf32>
    %add3A_7 = arith.constant 1.000000e+00 : f32
    %add3A_8 = vector.broadcast %add3A_7 : f32 to vector<2048xf32>
    %add3A_9 = arith.addf %add3A, %add3A_8 : vector<2048xf32>
    %rsqrt3A = math.rsqrt %add3A_9 : vector<2048xf32>
    %swap3A = arith.constant 0 : index
    %swap3A_10 = vector.load %arg2[%swap3A] : memref<2048xf32, #tpu.memory_space<vmem>>, vector<2048xf32>
    tpu.vector_store %arg2[%swap3A], %rsqrt3A {strides = array<i32>} : memref<2048xf32, #tpu.memory_space<vmem>>, vector<2048xf32>,
    return
  }
  func.func @transform_0(%arg0: i32) -> (i32, i32) {
    %c0_i32 = arith.constant 0 : i32
    %c0_i32_0 = arith.constant 0 : i32
    return %c0_i32, %arg0 : i32, i32
  }
  func.func @transform_1(%arg0: i32) -> i32 {
    %c0_i32 = arith.constant 0 : i32
    return %arg0 : i32
  }
}

module attributes {stable_mosaic.version = 14 : i64} {
  func.func @_mlp_body(%arg0: i32, %arg1: memref<2048x23xf32, #tpu.memory_space<vmem>>, %arg2: memref<2048xf32, #tpu.memory_space<vmem>>, %arg3: memref<2048x16xf32, #tpu.memory_space<vmem>>, %arg4: memref<2048x16xf32, #tpu.memory_space<vmem>>, %arg5: memref<23x32xf32, #tpu.memory_space<vmem>>, %arg6: memref<32xf32, #tpu.memory_space<vmem>>, %arg7: memref<32x23xf32, #tpu.memory_space<vmem>>, %arg8: memref<23xf32, #tpu.memory_space<vmem>>, %arg9: memref<2048x23xf32, #tpu.memory_space<vmem>>) attributes {dimension_semantics = [#tpu.dimension_semantics<arbitrary>], iteration_bounds = array<i64: 49>, scalar_prefetch = 0 : i64, scratch_operands = 0 : i64, tpu.core_type = #tpu.core_type<tc>, window_params = [{transform_indices = @transform_0, window_bounds = array<i64: 2048, 23>}, {transform_indices = @transform_1, window_bounds = array<i64: 2048>}, {transform_indices = @transform_2, window_bounds = array<i64: 2048, 16>}, {transform_indices = @transform_3, window_bounds = array<i64: 2048, 16>}, {pipeline_mode = #tpu.pipeline_mode<synchronous>, transform_indices = @transform_4, window_bounds = array<i64: 23, 32>}, {pipeline_mode = #tpu.pipeline_mode<synchronous>, transform_indices = @transform_5, window_bounds = array<i64: 32>}, {pipeline_mode = #tpu.pipeline_mode<synchronous>, transform_indices = @transform_6, window_bounds = array<i64: 32, 23>}, {pipeline_mode = #tpu.pipeline_mode<synchronous>, transform_indices = @transform_7, window_bounds = array<i64: 23>}, {transform_indices = @transform_8, window_bounds = array<i64: 2048, 23>}]} {
    %get3A = arith.constant 0 : index
    %get3A_0 = vector.load %arg2[%get3A] : memref<2048xf32, #tpu.memory_space<vmem>>, vector<2048xf32>
    %get3A_1 = arith.constant 0 : index
    %get3A_2 = arith.constant 0 : index
    %get3A_3 = vector.load %arg3[%get3A_1, %get3A_2] : memref<2048x16xf32, #tpu.memory_space<vmem>>, vector<2048x16xf32>
    %get3A_4 = arith.constant 0 : index
    %get3A_5 = arith.constant 0 : index
    %get3A_6 = vector.load %arg4[%get3A_4, %get3A_5] : memref<2048x16xf32, #tpu.memory_space<vmem>>, vector<2048x7xf32>
    %concatenate3A = tpu.concatenate %get3A_3, %get3A_6 in 1 : vector<2048x16xf32>, vector<2048x7xf32> -> vector<2048x23xf32>
    %get3A_7 = arith.constant 0 : index
    %get3A_8 = arith.constant 0 : index
    %get3A_9 = vector.load %arg1[%get3A_7, %get3A_8] : memref<2048x23xf32, #tpu.memory_space<vmem>>, vector<2048x23xf32>
    %broadcast_in_dim3A = vector.shape_cast %get3A_0 : vector<2048xf32> to vector<2048x1xf32>
    %mul3A = vector.broadcast %broadcast_in_dim3A : vector<2048x1xf32> to vector<2048x23xf32>
    %mul3A_10 = arith.mulf %concatenate3A, %mul3A : vector<2048x23xf32>
    %mul3A_11 = arith.mulf %get3A_0, %get3A_0 : vector<2048xf32>
    %broadcast_in_dim3A_12 = vector.shape_cast %mul3A_11 : vector<2048xf32> to vector<2048x1xf32>
    %mul3A_13 = vector.broadcast %broadcast_in_dim3A_12 : vector<2048x1xf32> to vector<2048x23xf32>
    %mul3A_14 = arith.mulf %get3A_9, %mul3A_13 : vector<2048x23xf32>
    %add3A = arith.addf %mul3A_10, %mul3A_14 : vector<2048x23xf32>
    %get3A_15 = arith.constant 0 : index
    %get3A_16 = arith.constant 0 : index
    %get3A_17 = vector.load %arg5[%get3A_15, %get3A_16] : memref<23x32xf32, #tpu.memory_space<vmem>>, vector<23x32xf32>
    %dot_general3A = arith.constant dense<0.000000e+00> : vector<2048x32xf32>
    %dot_general3A_18 = tpu.matmul %add3A, %get3A_17, %dot_general3A {dimension_numbers = #tpu.dot_dimension_numbers<[1], [0], [0], [1], [0, 0, 1, 1], [], []>, transpose_lhs_hint = false} : vector<2048x23xf32>, vector<23x32xf32>, vector<2048x32xf32> -> vector<2048x32xf32>
    %get3A_19 = arith.constant 0 : index
    %get3A_20 = vector.load %arg6[%get3A_19] : memref<32xf32, #tpu.memory_space<vmem>>, vector<32xf32>
    %broadcast_in_dim3A_21 = vector.shape_cast %get3A_20 : vector<32xf32> to vector<1x32xf32>
    %add3A_22 = vector.broadcast %broadcast_in_dim3A_21 : vector<1x32xf32> to vector<2048x32xf32>
    %add3A_23 = arith.addf %dot_general3A_18, %add3A_22 : vector<2048x32xf32>
    %max3A = arith.constant 0.000000e+00 : f32
    %max3A_24 = vector.broadcast %max3A : f32 to vector<2048x32xf32>
    %max3A_25 = arith.maximumf %add3A_23, %max3A_24 : vector<2048x32xf32>
    %get3A_26 = arith.constant 0 : index
    %get3A_27 = arith.constant 0 : index
    %get3A_28 = vector.load %arg7[%get3A_26, %get3A_27] : memref<32x23xf32, #tpu.memory_space<vmem>>, vector<32x23xf32>
    %dot_general3A_29 = arith.constant dense<0.000000e+00> : vector<2048x23xf32>
    %dot_general3A_30 = tpu.matmul %max3A_25, %get3A_28, %dot_general3A_29 {dimension_numbers = #tpu.dot_dimension_numbers<[1], [0], [0], [1], [0, 0, 1, 1], [], []>, transpose_lhs_hint = false} : vector<2048x32xf32>, vector<32x23xf32>, vector<2048x23xf32> -> vector<2048x23xf32>
    %add3A_31 = arith.addf %get3A_9, %dot_general3A_30 : vector<2048x23xf32>
    %get3A_32 = arith.constant 0 : index
    %get3A_33 = vector.load %arg8[%get3A_32] : memref<23xf32, #tpu.memory_space<vmem>>, vector<23xf32>
    %broadcast_in_dim3A_34 = vector.shape_cast %get3A_33 : vector<23xf32> to vector<1x23xf32>
    %add3A_35 = vector.broadcast %broadcast_in_dim3A_34 : vector<1x23xf32> to vector<2048x23xf32>
    %add3A_36 = arith.addf %add3A_31, %add3A_35 : vector<2048x23xf32>
    %swap3A = arith.constant 0 : index
    %swap3A_37 = arith.constant 0 : index
    %swap3A_38 = vector.load %arg9[%swap3A, %swap3A_37] : memref<2048x23xf32, #tpu.memory_space<vmem>>, vector<2048x23xf32>
    tpu.vector_store %arg9[%swap3A, %swap3A_37], %add3A_36 {strides = array<i32>} : memref<2048x23xf32, #tpu.memory_space<vmem>>, vector<2048x23xf32>,
    return
  }
  func.func @transform_0(%arg0: i32) -> (i32, i32) {
    %c0_i32 = arith.constant 0 : i32
    %c0_i32_0 = arith.constant 0 : i32
    return %arg0, %c0_i32 : i32, i32
  }
  func.func @transform_1(%arg0: i32) -> i32 {
    %c0_i32 = arith.constant 0 : i32
    return %arg0 : i32
  }
  func.func @transform_2(%arg0: i32) -> (i32, i32) {
    %c0_i32 = arith.constant 0 : i32
    %c0_i32_0 = arith.constant 0 : i32
    return %arg0, %c0_i32 : i32, i32
  }
  func.func @transform_3(%arg0: i32) -> (i32, i32) {
    %c0_i32 = arith.constant 0 : i32
    %c0_i32_0 = arith.constant 0 : i32
    return %arg0, %c0_i32 : i32, i32
  }
  func.func @transform_4(%arg0: i32) -> (i32, i32) {
    %c0_i32 = arith.constant 0 : i32
    %c0_i32_0 = arith.constant 0 : i32
    %c0_i32_1 = arith.constant 0 : i32
    return %c0_i32, %c0_i32_0 : i32, i32
  }
  func.func @transform_5(%arg0: i32) -> i32 {
    %c0_i32 = arith.constant 0 : i32
    %c0_i32_0 = arith.constant 0 : i32
    return %c0_i32 : i32
  }
  func.func @transform_6(%arg0: i32) -> (i32, i32) {
    %c0_i32 = arith.constant 0 : i32
    %c0_i32_0 = arith.constant 0 : i32
    %c0_i32_1 = arith.constant 0 : i32
    return %c0_i32, %c0_i32_0 : i32, i32
  }
  func.func @transform_7(%arg0: i32) -> i32 {
    %c0_i32 = arith.constant 0 : i32
    %c0_i32_0 = arith.constant 0 : i32
    return %c0_i32 : i32
  }
  func.func @transform_8(%arg0: i32) -> (i32, i32) {
    %c0_i32 = arith.constant 0 : i32
    %c0_i32_0 = arith.constant 0 : i32
    return %arg0, %c0_i32 : i32, i32
  }
}

</mosaic_0001>

<sc_bundles>
// kernel: kernel.6.cloned.1.call-start
scs
__scs_entry_jumppad:
0x0: {  	(pc) =	sbr.rel $0x88, $3  }
0x1: {  	(tag) =	ssettag $0x0;
	lr =	simm.s32 $0x1  }
0x2: {  	[smem:$0x3F9A] =	sst lr;
	_ =	strace $0xD0000000  }
0x3: {  	_ = 	snop  }
0x4: {  	_ = 	snop  }
0x5: {  	_ = 	snop  }
0x6: {  	_ = 	snop  }
0x7: {  	_ = 	snop  }
__scs_overlays_trampoline_lowered:
0x8: {  	[smem:$0x3FA9] =	sst s0  }
0x9: {  	[smem:$0x3FAA] =	sst s1  }
0xa: {  	[smem:$0x3FAB] =	sst s2  }
0xb: {  	[smem:$0x3FAC] =	sst s3  }
0xc: {  	[smem:$0x3FAD] =	sst s4  }
0xd: {  	[smem:$0x3FAE] =	sst s5  }
0xe: {  	[smem:$0x3FAF] =	sst s6  }
0xf: {  	[smem:$0x3FB0] =	sst s7  }
0x10: {  	[smem:$0x3FB1] =	sst s8  }
0x11: {  	[smem:$0x3FB2] =	sst s9;
	s0 =	simm.s32 @!p0 $0x0  }
0x12: {  	s1 =	sld [smem:$0x3F98];
	s0 =	simm.s32 @p0 $0x1  }
0x13: {  	[smem:$0x3FB3] =	sst s0;
	s0 =	simm.s32 @!p1 $0x0  }
0x14: {  	s2 =	sld [smem:$0x3F97];
	s0 =	simm.s32 @p1 $0x1  }
0x15: {  	[smem:$0x3FB4] =	sst s0;
	s0 =	simm.s32 @!p2 $0x0  }
0x16: {  	s3 =	sld [smem:$0x3FDB];
	s0 =	simm.s32 @p2 $0x1  }
0x17: {  	s4 =	simm.s32 $0x1BF5;
	[smem:$0x3FB6] =	sst s0  }
0x18: {  	s0 =	sld [smem:$0x3F99];
	_ =	swait.ge [sflag:s4], $0x0  }
0x19: {  	s7 =	sld [smem:$0x3F9A]  }
0x1a: {  	s8 =	sadd.s32 $0xFFFFE003, lr  }
0x1b: {  	s9 =	sadd.s32 $0xFFFFFEF7, lr;
	s5 =	simm.s32 $0xFFFFFFFF;
	p2 =	slt.u32 s8, $0xFFFFF086  }
0x1c: {  	p1 =	slt.u32 s9, $0xF7A;
	s5 =	simm.s32 @!p2 $0x0  }
0x1d: {  	s5 =	simm.s32 @p1 $0x1;
	p0 =	seq.s32 s7, s2  }
0x1e: {  	s7 =	smul.u32 @!p0 $0xF7A, s2;
	p2 =	seq.s32 @!p0 s5, $0x0  }
0x1f: {  	s9 =	smul.u32 $0xF7A, s1;
	s8 =	simm.s32 @!p0 $0x1BF5;
	p2 =	por !p2, p0  }
0x20: {  	[sflag:s8] =	ssyncset.s32 @!p0 $0xFFFFF086;
	s6 =	sadd.s32 @!p0 s3, s7;
	s7 =	simm.s32 @!p0 $0x108  }
0x21: {  	s3 =	sadd.s32 s3, s9;
	s6 =	sadd.s32 @!p0 $0x88, s6;
	s7 =	simm.s32 @p2 $0x1082  }
0x22: {  	[simem:s7], [sflag:s8] =	dma.local @!p0 [hbm:s6], $0xF7A  }
0x23: {  	s9 =	sor.u32 $0xD0000000, s2;
	s6 =	simm.s32 $0x108;
	_ =	swait.ge @!p0 [sflag:s8], $0x0  }
0x24: {  	s3 =	sadd.s32 $0x88, s3;
	s6 =	simm.s32 @!p1 $0x1082;
	[sflag:s4] =	ssyncset.s32 $0xFFFFF086  }
0x25: {  	[simem:s6], [sflag:s4] =	dma.local [hbm:s3], $0xF7A  }
0x26: {  	[smem:$0x3F9A] =	sst s1;
	(tag) =	ssettag s2;
	_ =	strace s9  }
0x27: {  	s1 =	sld [smem:$0x3FAA]  }
0x28: {  	s2 =	sld [smem:$0x3FAB]  }
0x29: {  	s4 =	sld [smem:$0x3FAD]  }
0x2a: {  	p0 =	seq.s32 s5, $0x0;
	s5 =	sld [smem:$0x3FAE]  }
0x2b: {  	s6 =	sld [smem:$0x3FAF]  }
0x2c: {  	s7 =	sld [smem:$0x3FB0]  }
0x2d: {  	s3 =	simm.s32 $0x108;
	s8 =	sld [smem:$0x3FB1]  }
0x2e: {  	s3 =	simm.s32 @!p0 $0x1082;
	s9 =	sld [smem:$0x3FB2]  }
0x2f: {  	lr =	sadd.s32 s0, s3;
	s0 =	sld [smem:$0x3FA9]  }
0x30: {  	s3 =	sld [smem:$0x3FAC]  }
0x31: {  	[smem:$0x3FB5] =	sst s10  }
0x32: {  	s10 =	sld [smem:$0x3FB3];
	_ =	sdelay $0x3  }
0x33: {  	p0 =	seq.s32 s10, $0x1;
	s10 =	sld [smem:$0x3FB5];
	_ =	sdelay $0x3  }
0x34: {  	[smem:$0x3FB5] =	sst s10  }
0x35: {  	s10 =	sld [smem:$0x3FB4];
	_ =	sdelay $0x3  }
0x36: {  	p1 =	seq.s32 s10, $0x1;
	s10 =	sld [smem:$0x3FB5];
	_ =	sdelay $0x3  }
0x37: {  	[smem:$0x3FB5] =	sst s10  }
0x38: {  	s10 =	sld [smem:$0x3FB6]  }
0x39: {  	_ = 	snop;
	(pc) =	sbr.ind lr, $3  }
0x3a: {  	_ = 	snop  }
0x3b: {  	_ = 	snop  }
0x3c: {  	p2 =	seq.s32 s10, $0x1;
	s10 =	sld [smem:$0x3FB5]  }
0x3d: {  	_ =	shalt  }
0x3e: {  	_ =	shalt  }
0x3f: {  	_ =	shalt  }
0x40: {  	_ =	shalt  }
0x41: {  	_ =	shalt  }
0x42: {  	_ =	shalt  }
0x43: {  	_ =	shalt  }
0x44: {  	_ =	shalt  }
0x45: {  	_ =	shalt  }
0x46: {  	_ =	shalt  }
0x47: {  	_ =	shalt  }
0x48: {  	_ =	shalt  }
0x49: {  	_ =	shalt  }
0x4a: {  	_ =	shalt  }
0x4b: {  	_ =	shalt  }
0x4c: {  	_ =	shalt  }
0x4d: {  	_ =	shalt  }
0x4e: {  	_ =	shalt  }
0x4f: {  	_ =	shalt  }
0x50: {  	_ =	shalt  }
0x51: {  	_ =	shalt  }
0x52: {  	_ =	shalt  }
0x53: {  	_ =	shalt  }
0x54: {  	_ =	shalt  }
0x55: {  	_ =	shalt  }
0x56: {  	_ =	shalt  }
0x57: {  	_ =	shalt  }
0x58: {  	_ =	shalt  }
0x59: {  	_ =	shalt  }
0x5a: {  	_ =	shalt  }
0x5b: {  	_ =	shalt  }
0x5c: {  	_ =	shalt  }
0x5d: {  	_ =	shalt  }
0x5e: {  	_ =	shalt  }
0x5f: {  	_ =	shalt  }
0x60: {  	_ =	shalt  }
0x61: {  	_ =	shalt  }
0x62: {  	_ =	shalt  }
0x63: {  	_ =	shalt  }
0x64: {  	_ =	shalt  }
0x65: {  	_ =	shalt  }
0x66: {  	_ =	shalt  }
0x67: {  	_ =	shalt  }
0x68: {  	_ =	shalt  }
0x69: {  	_ =	shalt  }
0x6a: {  	_ =	shalt  }
0x6b: {  	_ =	shalt  }
0x6c: {  	_ =	shalt  }
0x6d: {  	_ =	shalt  }
0x6e: {  	_ =	shalt  }
0x6f: {  	_ =	shalt  }
0x70: {  	_ =	shalt  }
0x71: {  	_ =	shalt  }
0x72: {  	_ =	shalt  }
0x73: {  	_ =	shalt  }
0x74: {  	_ =	shalt  }
0x75: {  	_ =	shalt  }
0x76: {  	_ =	shalt  }
0x77: {  	_ =	shalt  }
0x78: {  	_ =	shalt  }
0x79: {  	_ =	shalt  }
0x7a: {  	_ =	shalt  }
0x7b: {  	_ =	shalt  }
0x7c: {  	_ =	shalt  }
0x7d: {  	_ =	shalt  }
0x7e: {  	_ =	shalt  }
0x7f: {  	_ =	shalt  }
0x80: {  	_ =	shalt  }
0x81: {  	_ =	shalt  }
0x82: {  	_ =	shalt  }
0x83: {  	_ =	shalt  }
0x84: {  	_ =	shalt  }
0x85: {  	_ =	shalt  }
0x86: {  	_ =	shalt  }
0x87: {  	_ =	shalt  }
.Lfunc_end0:
.L_simem_size_0:
called_computation_lowered:
.L_overlay_start_0:
0x88: {  	s2 =	sld [smem:$0x3FD9]  }
0x89: {  	s3 =	sld [smem:$0x3FFE];
	_ =	sdelay $0x1  }
0x8a: {  	s1 =	srdreg.scid  }
0x8b: {  	s0 =	sand.u32 $0x1, s1  }
0x8c: {  	s17 =	sshll.u32 s0, $0xA;
	s2 =	sadd.s32 s3, s2  }
0x8d: {  	s2 =	sadd.s32 s2, s17  }
0x8e: {  	[smem:$0x3FC1] =	sst s2  }
0x8f: {  	_ = 	snop  }
0x90: {  	s2 =	sld [smem:$0x3FD0];
	(tm) =	ssettm $0x1  }
0x91: {  	s18 =	sld [smem:$0x3FFB];
	_ =	sdelay $0x3  }
0x92: {  	_ =	strace s18  }
0x93: {  	s3 =	sld [smem:$0x3FFC];
	_ =	sdelay $0x3  }
0x94: {  	_ =	strace s3  }
0x95: {  	s3 =	sld [smem:$0x3FFD];
	_ =	sdelay $0x3  }
0x96: {  	_ =	strace s3  }
0x97: {  	_ =	strace $0x8FFFFFFF  }
0x98: {  	s19 =	sld [smem:$0x3FDB];
	_ =	sdelay $0x1  }
0x99: {  	s4 =	simm.s32 $_scs_section_size  }
0x9a: {  	s5 =	simm.s32 $_size__tile_overlayer_lowered;
	s6 =	simm.s32 $_tile_overlayer_lowered  }
0x9b: {  	s22 =	simm.s32 $0x1BFF;
	s21 =	sshll.u32 s6, $0x1;
	s3 =	sadd.s32 s4, s19  }
0x9c: {  	s7 =	simm.s32 $0x0;
	s20 =	sshll.u32 s5, $0x1;
	s5 =	sadd.s32 s21, s3  }
0x9d: {  	[timem:s7], [sflag:s22] =	dma.local [hbm:s5], s20  }
0x9e: {  	_ =	swait.ge [sflag:s22], s20  }
0x9f: {  	s4 =	ssub.s32 $0x0, s20;
	[sflag:s22] =	ssyncset.done $0x0  }
0xa0: {  	[sflag:s22] =	ssyncadd.s32 s4;
	_ =	sdelay $0x1  }
0xa1: {  	s23 =	simm.s32 $0x1B8B  }
0xa2: {  	_ =	swait.ge [sflag:s23], $0x1  }
0xa3: {  	[sflag:s23] =	ssyncset.done $0x0  }
0xa4: {  	s25 =	simm.s32 $0x1B8E;
	s24 =	sld [smem:$0x3FFE];
	[sflag:s23] =	ssyncadd.s32 $0xFFFFFFFF  }
0xa5: {  	s26 =	simm.s32 $execute0_lowered;
	[smem:$0x3FD2] =	sst s25  }
0xa6: {  	s5 =	sshll.u32 s26, $0x1;
	_ =	strace $0x80000046;
	[dreg:$0x1] =	wrdreg $0xFFFFFFFF  }
0xa7: {  	s28 =	simm.s32 $_size_execute0_lowered;
	s3 =	sadd.s32 s3, s5;
	[dreg:$0x0] =	wrdreg $0x0  }
0xa8: {  	s5 =	sshll.u32 s28, $0x1;
	[dreg:$0x2] =	wrdreg s3  }
0xa9: {  	[dreg:$0x3] =	wrdreg s5  }
0xaa: {  	[dreg:$0x4] =	wrdreg $0xC0  }
0xab: {  	_ =	task [dreg:s7], $0x5FFFF  }
0xac: {  	[dreg:$0x1] =	wrdreg $0xFFFFFFFF  }
0xad: {  	[dreg:$0x0] =	wrdreg $0x60  }
0xae: {  	[dreg:$0x2] =	wrdreg s24  }
0xaf: {  	[dreg:$0x3] =	wrdreg s2  }
0xb0: {  	[dreg:$0x4] =	wrdreg $0x27100  }
0xb1: {  	[dreg:$0x5] =	wrdreg $0x9  }
0xb2: {  	_ =	task.clear_ibuf [dreg:s7], $0x6FFFF;
	_ =	strace $0x90000046  }
0xb3: {  	s29 =	simm.s32 $0x9;
	_ =	strace $0x80000048  }
0xb4: {  	_ =	swait.ge [sflag:s29], $0x1  }
0xb5: {  	[sflag:s29] =	ssyncadd.s32 $0xFFFFFFFF  }
0xb6: {  	_ =	strace $0x90000048  }
0xb7: {  	_ =	sfence  }
0xb8: {  	s30 =	sld [smem:$0x0];
	_ =	sdelay $0x2  }
0xb9: {  	s31 =	sshll.u32 s1, $0xD;
	s1 =	sshrl.u32 s1, $0x2  }
0xba: {  	s3 =	sand.u32 $0x4000, s31;
	s1 =	sadd.s32 s1, s30  }
0xbb: {  	s0 =	sor.u32 s3, s0;
	s1 =	sshll.u32 s1, $0x11  }
0xbc: {  	s0 =	sor.u32 s1, s0  }
0xbd: {  	s0 =	sadd.s32 $0x8F2B, s0  }
0xbe: {  	[sflag:s0] =	ssyncadd.remote.s32 $0x1  }
0xbf: {  	_ =	sfence.sel $0xFFFF  }
0xc0: {  	[dreg:$0x0] =	wrdreg $0xFFFFFFFF;
	(pc) =	sbr.abs _section_cstart, $3  }
0xc1: {  	[dreg:$0x1] =	wrdreg $0xFFFFFFFF  }
0xc2: {  	_ =	task.clear_ibuf [dreg:s7], $0x2FFFF;
	_ =	strace $0x9FFFFFFF  }
0xc3: {  	(tm) =	ssettm $0x7FFFFFFF  }
tec
execute0_lowered:
.L_overlay_start_1:
0x0: {  	(tag) =	ssettag $0x1  }
0x1: {  	s0 =	srdreg.scid;
	s5 =	rddreg [dreg:$0x0]  }
0x2: {  	s7 =	rddreg [dreg:$0x1];
	s6 =	sand.u32 $0x1, s0  }
0x3: {  	s0 =	stileid.u32;
	s4 =	smul.u32 $0x186A00, s6  }
0x4: {  	s2 =	rddreg [dreg:$0x2];
	s8 =	smul.u32 $0x186A0, s0  }
0x5: {  	s1 =	rddreg [dreg:$0x3];
	s3 =	simm.s32 $0x0;
	s30 =	smul.u32 $0x18A0, s0  }
0x6: {  	s13 =	simm.s32 $0x0;
	[smem:$0x7FF] =	sst s3;
	s9 =	smul.u32 $0x18A00, s6  }
0x7: {  	_ =	strace $0x80000047;
	s6 =	ssub.s32 $0x2, s6;
	s31 =	sshll.u32 s0, $0x6  }
0x8: {  	s11 =	sshrl.u32 s6, $0x1;
	s4 =	sadd.s32 s8, s4;
	s9 =	sadd.s32 s30, s9  }
0x9: {  	s11 =	ssub.s32 s6, s11;
	s12 =	sadd.s32 s30, s2;
	s6 =	sor.u32 $0x1C01, s31  }
0xa: {  	s4 =	sadd.s32 $0x30D400, s4;
	s9 =	sshrl.u32 s9, $0x3;
	s8 =	smax.u32 s11, $0x1  }
0xb: {  	s11 =	simm.s32 $0x1;
	s4 =	sshrl.u32 s4, $0x3;
	s7 =	sadd.s32 s7, s9  }
0xc: {  	s10 =	sadd.s32 s4, s5;
	s4 =	sadd.s32 $0xC6200, s5;
	s5 =	sadd.s32 $0xC6600, s5  }
0xd: {  	s9 =	sadd.s32 $0x2C00, s10;
	s10 =	sshrl.u32 s12, $0x3;
	s12 =	simm.s32 $0x1388  }
.LBB2_1:
0xe: {  	[spmem:s10], [sflag:s6] =	dma.local [hbm:s5], $0x314  }
0xf: {  	_ =	swait.ge [sflag:s11], $0x314  }
0x10: {  	[sflag:s11] =	ssyncset.done $0x0  }
0x11: {  	[sflag:s11] =	ssyncadd.s32 $0xFFFFFCEC  }
0x12: {  	[tilespmem:s12], [sflag:$0x1] =	stream.linear.gather [hbm4b:s4+s3], $0x1388, $0x38;
	[tilespmem:$0x3FB0] =	vst v63  }
0x13: {  	_ =	swait.ge [sflag:s11], $0x1388  }
0x14: {  	[sflag:s11] =	ssyncset.done $0x0  }
0x15: {  	[sflag:s11] =	ssyncadd.s32 $0xFFFFEC78  }
0x16: {  	s14 =	sadd.s32 $0x0, s9;
	[bflag:$0x0] =	sbarrier.arrive $0xFFFF  }
0x17: {  	[tilespmem:s3], [sflag:$0x1] =	stream.linear.gather [hbm4b:s14+s3], $0x1388, $0x38;
	[tilespmem:$0x3FB0] =	vst v63  }
0x18: {  	_ =	swait.ge [sflag:s11], $0x1388  }
0x19: {  	[sflag:s11] =	ssyncset.done $0x0  }
0x1a: {  	[sflag:s11] =	ssyncadd.s32 $0xFFFFEC78  }
0x1b: {  	[spmem:s2] =	stream.indirect.scatter.add.f32 [tilespmem:s12], [sflag:$0x1], $0x1, s3, s12, $0xb8;
	[tilespmem:$0x3FB0] =	vst v63  }
0x1c: {  	_ =	swait.ge [sflag:s11], $0x1388  }
0x1d: {  	s15 =	simm.s32 $0x4E2;
	s14 =	simm.s32 $0x271;
	[sflag:s11] =	ssyncset.done $0x0  }
.LBB2_2:
0x1e: {  	s16 =	sadd.s32 s14, s9  }
0x1f: {  	[sflag:s11] =	ssyncadd.s32 $0xFFFFEC78;
	s14 =	smov.u32 s15;
	s17 =	sadd.s32 $0x271, s15  }
0x20: {  	[tilespmem:s3], [sflag:$0x1] =	stream.linear.gather [hbm4b:s16+s3], $0x1388, $0x38;
	[tilespmem:$0x3FB0] =	vst v63  }
0x21: {  	p0 =	sne.s32 s15, $0x2E63;
	_ =	swait.ge [sflag:s11], $0x1388  }
.Ltmp0:
0x22: {  	[sflag:s11] =	ssyncset.done $0x0;
	(pc) =	sbr.rel @p0 .LBB2_2-.Ltmp0, $4  }
0x23: {  	[sflag:s11] =	ssyncadd.s32 $0xFFFFEC78  }
0x24: {  	[spmem:s2] =	stream.indirect.scatter.add.f32 [tilespmem:s12], [sflag:$0x1], $0x1, s3, s12, $0xb8;
	[tilespmem:$0x3FB0] =	vst v63  }
0x25: {  	_ =	swait.ge [sflag:s11], $0x1388  }
0x26: {  	s15 =	smov.u32 s17;
	[sflag:s11] =	ssyncset.done $0x0  }
0x27: {  	s14 =	sadd.s32 s14, s9;
	[sflag:s11] =	ssyncadd.s32 $0xFFFFEC78  }
0x28: {  	[tilespmem:s3], [sflag:$0x1] =	stream.linear.gather [hbm4b:s14+s3], $0x1388, $0x38;
	[tilespmem:$0x3FB0] =	vst v63  }
0x29: {  	_ =	swait.ge [sflag:s11], $0x1388  }
0x2a: {  	[sflag:s11] =	ssyncset.done $0x0  }
0x2b: {  	[sflag:s11] =	ssyncadd.s32 $0xFFFFEC78  }
0x2c: {  	[spmem:s2] =	stream.indirect.scatter.add.f32 [tilespmem:s12], [sflag:$0x1], $0x1, s3, s12, $0xb8;
	[tilespmem:$0x3FB0] =	vst v63  }
0x2d: {  	_ =	swait.ge [sflag:s11], $0x1388  }
0x2e: {  	s13 =	sadd.s32 $0x1, s13;
	[sflag:s11] =	ssyncset.done $0x0  }
0x2f: {  	p0 =	sne.s32 s13, s8;
	[sflag:s11] =	ssyncadd.s32 $0xFFFFEC78  }
.Ltmp1:
0x30: {  	[bflag:$0x0] =	sbarrier.arrive $0xFFFF;
	(pc) =	sbr.rel @p0 .LBB2_1-.Ltmp1, $4  }
0x31: {  	[hbm:s7], [sflag:s6] =	dma.local [spmem:s10], $0x314  }
0x32: {  	_ =	swait.ge [sflag:s11], $0x314  }
0x33: {  	[sflag:s11] =	ssyncset.done $0x0  }
0x34: {  	[sflag:s11] =	ssyncadd.s32 $0xFFFFFCEC  }
0x35: {  	_ =	sfence.sel $0x180000  }
0x36: {  	[bflag:$0x0] =	sbarrier.arrive $0xFFFF  }
0x37: {  	p0 =	sne.s32 s0, $0x0;
	_ =	strace $0x90000047  }
0x38: {  	s0 =	sadd.s32 @!p0 $0x100000, s1;
	[bflag:$0x2] =	sbarrier.arrive $0xFFFF  }
0x39: {  	[sflag:s0] =	ssyncadd.tile.s32 @!p0 $0x1;
	_ =	shalt  }
.Lfunc_end2:
_tile_overlayer_lowered:
.L_overlay_start_2:
0x3a: {  	(tag) =	ssettag $0x2  }
0x3b: {  	s0 =	rddreg [dreg:$0x0];
	s2 =	stileid.u32  }
0x3c: {  	s1 =	rddreg [dreg:$0x1];
	p0 =	sne.s32 s2, $0x0  }
0x3d: {  	s3 =	rddreg [dreg:$0x2];
	[bflag:$0x3] =	sbarrier.arrive $0xFFFF;
	s2 =	simm.s32 @!p0 $0x1C01  }
0x3e: {  	[timem:s3], [sflag:s2] =	dma.local @!p0 [hbm:s0], s1  }
0x3f: {  	s0 =	simm.s32 @!p0 $0x1  }
0x40: {  	_ =	swait.ge @!p0 [sflag:s0], s1  }
0x41: {  	s1 =	ssub.s32 @!p0 $0x0, s1;
	[sflag:s0] =	ssyncset.done @!p0 $0x0  }
0x42: {  	[sflag:s0] =	ssyncadd.s32 @!p0 s1  }
0x43: {  	[bflag:$0x3] =	sbarrier.arrive $0xFFFF  }
0x44: {  	_ =	shalt  }

// kernel: kernel.9.cloned.1.call-start
scs
__scs_entry_jumppad:
0x0: {  	(pc) =	sbr.rel $0x88, $3  }
0x1: {  	(tag) =	ssettag $0x0;
	lr =	simm.s32 $0x1  }
0x2: {  	[smem:$0x3F9A] =	sst lr;
	_ =	strace $0xD0000000  }
0x3: {  	_ = 	snop  }
0x4: {  	_ = 	snop  }
0x5: {  	_ = 	snop  }
0x6: {  	_ = 	snop  }
0x7: {  	_ = 	snop  }
__scs_overlays_trampoline_lowered:
0x8: {  	[smem:$0x3FA9] =	sst s0  }
0x9: {  	[smem:$0x3FAA] =	sst s1  }
0xa: {  	[smem:$0x3FAB] =	sst s2  }
0xb: {  	[smem:$0x3FAC] =	sst s3  }
0xc: {  	[smem:$0x3FAD] =	sst s4  }
0xd: {  	[smem:$0x3FAE] =	sst s5  }
0xe: {  	[smem:$0x3FAF] =	sst s6  }
0xf: {  	[smem:$0x3FB0] =	sst s7  }
0x10: {  	[smem:$0x3FB1] =	sst s8  }
0x11: {  	[smem:$0x3FB2] =	sst s9;
	s0 =	simm.s32 @!p0 $0x0  }
0x12: {  	s1 =	sld [smem:$0x3F98];
	s0 =	simm.s32 @p0 $0x1  }
0x13: {  	[smem:$0x3FB3] =	sst s0;
	s0 =	simm.s32 @!p1 $0x0  }
0x14: {  	s2 =	sld [smem:$0x3F97];
	s0 =	simm.s32 @p1 $0x1  }
0x15: {  	[smem:$0x3FB4] =	sst s0;
	s0 =	simm.s32 @!p2 $0x0  }
0x16: {  	s3 =	sld [smem:$0x3FDB];
	s0 =	simm.s32 @p2 $0x1  }
0x17: {  	s4 =	simm.s32 $0x1BF5;
	[smem:$0x3FB6] =	sst s0  }
0x18: {  	s0 =	sld [smem:$0x3F99];
	_ =	swait.ge [sflag:s4], $0x0  }
0x19: {  	s7 =	sld [smem:$0x3F9A]  }
0x1a: {  	s8 =	sadd.s32 $0xFFFFE003, lr  }
0x1b: {  	s9 =	sadd.s32 $0xFFFFFEF7, lr;
	s5 =	simm.s32 $0xFFFFFFFF;
	p2 =	slt.u32 s8, $0xFFFFF086  }
0x1c: {  	p1 =	slt.u32 s9, $0xF7A;
	s5 =	simm.s32 @!p2 $0x0  }
0x1d: {  	s5 =	simm.s32 @p1 $0x1;
	p0 =	seq.s32 s7, s2  }
0x1e: {  	s7 =	smul.u32 @!p0 $0xF7A, s2;
	p2 =	seq.s32 @!p0 s5, $0x0  }
0x1f: {  	s9 =	smul.u32 $0xF7A, s1;
	s8 =	simm.s32 @!p0 $0x1BF5;
	p2 =	por !p2, p0  }
0x20: {  	[sflag:s8] =	ssyncset.s32 @!p0 $0xFFFFF086;
	s6 =	sadd.s32 @!p0 s3, s7;
	s7 =	simm.s32 @!p0 $0x108  }
0x21: {  	s3 =	sadd.s32 s3, s9;
	s6 =	sadd.s32 @!p0 $0x88, s6;
	s7 =	simm.s32 @p2 $0x1082  }
0x22: {  	[simem:s7], [sflag:s8] =	dma.local @!p0 [hbm:s6], $0xF7A  }
0x23: {  	s9 =	sor.u32 $0xD0000000, s2;
	s6 =	simm.s32 $0x108;
	_ =	swait.ge @!p0 [sflag:s8], $0x0  }
0x24: {  	s3 =	sadd.s32 $0x88, s3;
	s6 =	simm.s32 @!p1 $0x1082;
	[sflag:s4] =	ssyncset.s32 $0xFFFFF086  }
0x25: {  	[simem:s6], [sflag:s4] =	dma.local [hbm:s3], $0xF7A  }
0x26: {  	[smem:$0x3F9A] =	sst s1;
	(tag) =	ssettag s2;
	_ =	strace s9  }
0x27: {  	s1 =	sld [smem:$0x3FAA]  }
0x28: {  	s2 =	sld [smem:$0x3FAB]  }
0x29: {  	s4 =	sld [smem:$0x3FAD]  }
0x2a: {  	p0 =	seq.s32 s5, $0x0;
	s5 =	sld [smem:$0x3FAE]  }
0x2b: {  	s6 =	sld [smem:$0x3FAF]  }
0x2c: {  	s7 =	sld [smem:$0x3FB0]  }
0x2d: {  	s3 =	simm.s32 $0x108;
	s8 =	sld [smem:$0x3FB1]  }
0x2e: {  	s3 =	simm.s32 @!p0 $0x1082;
	s9 =	sld [smem:$0x3FB2]  }
0x2f: {  	lr =	sadd.s32 s0, s3;
	s0 =	sld [smem:$0x3FA9]  }
0x30: {  	s3 =	sld [smem:$0x3FAC]  }
0x31: {  	[smem:$0x3FB5] =	sst s10  }
0x32: {  	s10 =	sld [smem:$0x3FB3];
	_ =	sdelay $0x3  }
0x33: {  	p0 =	seq.s32 s10, $0x1;
	s10 =	sld [smem:$0x3FB5];
	_ =	sdelay $0x3  }
0x34: {  	[smem:$0x3FB5] =	sst s10  }
0x35: {  	s10 =	sld [smem:$0x3FB4];
	_ =	sdelay $0x3  }
0x36: {  	p1 =	seq.s32 s10, $0x1;
	s10 =	sld [smem:$0x3FB5];
	_ =	sdelay $0x3  }
0x37: {  	[smem:$0x3FB5] =	sst s10  }
0x38: {  	s10 =	sld [smem:$0x3FB6]  }
0x39: {  	_ = 	snop;
	(pc) =	sbr.ind lr, $3  }
0x3a: {  	_ = 	snop  }
0x3b: {  	_ = 	snop  }
0x3c: {  	p2 =	seq.s32 s10, $0x1;
	s10 =	sld [smem:$0x3FB5]  }
0x3d: {  	_ =	shalt  }
0x3e: {  	_ =	shalt  }
0x3f: {  	_ =	shalt  }
0x40: {  	_ =	shalt  }
0x41: {  	_ =	shalt  }
0x42: {  	_ =	shalt  }
0x43: {  	_ =	shalt  }
0x44: {  	_ =	shalt  }
0x45: {  	_ =	shalt  }
0x46: {  	_ =	shalt  }
0x47: {  	_ =	shalt  }
0x48: {  	_ =	shalt  }
0x49: {  	_ =	shalt  }
0x4a: {  	_ =	shalt  }
0x4b: {  	_ =	shalt  }
0x4c: {  	_ =	shalt  }
0x4d: {  	_ =	shalt  }
0x4e: {  	_ =	shalt  }
0x4f: {  	_ =	shalt  }
0x50: {  	_ =	shalt  }
0x51: {  	_ =	shalt  }
0x52: {  	_ =	shalt  }
0x53: {  	_ =	shalt  }
0x54: {  	_ =	shalt  }
0x55: {  	_ =	shalt  }
0x56: {  	_ =	shalt  }
0x57: {  	_ =	shalt  }
0x58: {  	_ =	shalt  }
0x59: {  	_ =	shalt  }
0x5a: {  	_ =	shalt  }
0x5b: {  	_ =	shalt  }
0x5c: {  	_ =	shalt  }
0x5d: {  	_ =	shalt  }
0x5e: {  	_ =	shalt  }
0x5f: {  	_ =	shalt  }
0x60: {  	_ =	shalt  }
0x61: {  	_ =	shalt  }
0x62: {  	_ =	shalt  }
0x63: {  	_ =	shalt  }
0x64: {  	_ =	shalt  }
0x65: {  	_ =	shalt  }
0x66: {  	_ =	shalt  }
0x67: {  	_ =	shalt  }
0x68: {  	_ =	shalt  }
0x69: {  	_ =	shalt  }
0x6a: {  	_ =	shalt  }
0x6b: {  	_ =	shalt  }
0x6c: {  	_ =	shalt  }
0x6d: {  	_ =	shalt  }
0x6e: {  	_ =	shalt  }
0x6f: {  	_ =	shalt  }
0x70: {  	_ =	shalt  }
0x71: {  	_ =	shalt  }
0x72: {  	_ =	shalt  }
0x73: {  	_ =	shalt  }
0x74: {  	_ =	shalt  }
0x75: {  	_ =	shalt  }
0x76: {  	_ =	shalt  }
0x77: {  	_ =	shalt  }
0x78: {  	_ =	shalt  }
0x79: {  	_ =	shalt  }
0x7a: {  	_ =	shalt  }
0x7b: {  	_ =	shalt  }
0x7c: {  	_ =	shalt  }
0x7d: {  	_ =	shalt  }
0x7e: {  	_ =	shalt  }
0x7f: {  	_ =	shalt  }
0x80: {  	_ =	shalt  }
0x81: {  	_ =	shalt  }
0x82: {  	_ =	shalt  }
0x83: {  	_ =	shalt  }
0x84: {  	_ =	shalt  }
0x85: {  	_ =	shalt  }
0x86: {  	_ =	shalt  }
0x87: {  	_ =	shalt  }
.Lfunc_end0:
.L_simem_size_0:
called_computation.1_lowered:
.L_overlay_start_0:
0x88: {  	s2 =	sld [smem:$0x3FD9]  }
0x89: {  	s3 =	sld [smem:$0x3FFE];
	_ =	sdelay $0x1  }
0x8a: {  	s1 =	srdreg.scid  }
0x8b: {  	s0 =	sand.u32 $0x1, s1  }
0x8c: {  	s17 =	sshll.u32 s0, $0xA;
	s2 =	sadd.s32 s3, s2  }
0x8d: {  	s2 =	sadd.s32 s2, s17  }
0x8e: {  	[smem:$0x3FC1] =	sst s2  }
0x8f: {  	_ = 	snop  }
0x90: {  	s2 =	sld [smem:$0x3FD0];
	(tm) =	ssettm $0x1  }
0x91: {  	s18 =	sld [smem:$0x3FFB];
	_ =	sdelay $0x3  }
0x92: {  	_ =	strace s18  }
0x93: {  	s3 =	sld [smem:$0x3FFC];
	_ =	sdelay $0x3  }
0x94: {  	_ =	strace s3  }
0x95: {  	s3 =	sld [smem:$0x3FFD];
	_ =	sdelay $0x3  }
0x96: {  	_ =	strace s3  }
0x97: {  	_ =	strace $0x8FFFFFFF  }
0x98: {  	s19 =	sld [smem:$0x3FDB];
	_ =	sdelay $0x1  }
0x99: {  	s4 =	simm.s32 $_scs_section_size  }
0x9a: {  	s5 =	simm.s32 $_size__tile_overlayer_lowered;
	s6 =	simm.s32 $_tile_overlayer_lowered  }
0x9b: {  	s22 =	simm.s32 $0x1BFF;
	s21 =	sshll.u32 s6, $0x1;
	s3 =	sadd.s32 s4, s19  }
0x9c: {  	s7 =	simm.s32 $0x0;
	s20 =	sshll.u32 s5, $0x1;
	s5 =	sadd.s32 s21, s3  }
0x9d: {  	[timem:s7], [sflag:s22] =	dma.local [hbm:s5], s20  }
0x9e: {  	_ =	swait.ge [sflag:s22], s20  }
0x9f: {  	s4 =	ssub.s32 $0x0, s20;
	[sflag:s22] =	ssyncset.done $0x0  }
0xa0: {  	[sflag:s22] =	ssyncadd.s32 s4;
	_ =	sdelay $0x1  }
0xa1: {  	s23 =	simm.s32 $0x1B8B  }
0xa2: {  	_ =	swait.ge [sflag:s23], $0x1  }
0xa3: {  	[sflag:s23] =	ssyncset.done $0x0  }
0xa4: {  	s25 =	simm.s32 $0x1B8E;
	s24 =	sld [smem:$0x3FFE];
	[sflag:s23] =	ssyncadd.s32 $0xFFFFFFFF  }
0xa5: {  	s26 =	simm.s32 $execute0_lowered;
	[smem:$0x3FD2] =	sst s25  }
0xa6: {  	s5 =	sshll.u32 s26, $0x1;
	_ =	strace $0x80000049;
	[dreg:$0x1] =	wrdreg $0xFFFFFFFF  }
0xa7: {  	s28 =	simm.s32 $_size_execute0_lowered;
	s3 =	sadd.s32 s3, s5;
	[dreg:$0x0] =	wrdreg $0x0  }
0xa8: {  	s5 =	sshll.u32 s28, $0x1;
	[dreg:$0x2] =	wrdreg s3  }
0xa9: {  	[dreg:$0x3] =	wrdreg s5  }
0xaa: {  	[dreg:$0x4] =	wrdreg $0xC0  }
0xab: {  	_ =	task [dreg:s7], $0x5FFFF  }
0xac: {  	[dreg:$0x1] =	wrdreg $0xFFFFFFFF  }
0xad: {  	[dreg:$0x0] =	wrdreg $0x60  }
0xae: {  	[dreg:$0x2] =	wrdreg s24  }
0xaf: {  	[dreg:$0x3] =	wrdreg s2  }
0xb0: {  	[dreg:$0x4] =	wrdreg $0x70800  }
0xb1: {  	[dreg:$0x5] =	wrdreg $0x9  }
0xb2: {  	_ =	task.clear_ibuf [dreg:s7], $0x6FFFF;
	_ =	strace $0x90000049  }
0xb3: {  	s29 =	simm.s32 $0x9;
	_ =	strace $0x8000004B  }
0xb4: {  	_ =	swait.ge [sflag:s29], $0x1  }
0xb5: {  	[sflag:s29] =	ssyncadd.s32 $0xFFFFFFFF  }
0xb6: {  	_ =	strace $0x9000004B  }
0xb7: {  	_ =	sfence  }
0xb8: {  	s30 =	sld [smem:$0x0];
	_ =	sdelay $0x2  }
0xb9: {  	s31 =	sshll.u32 s1, $0xD;
	s1 =	sshrl.u32 s1, $0x2  }
0xba: {  	s3 =	sand.u32 $0x4000, s31;
	s1 =	sadd.s32 s1, s30  }
0xbb: {  	s0 =	sor.u32 s3, s0;
	s1 =	sshll.u32 s1, $0x11  }
0xbc: {  	s0 =	sor.u32 s1, s0  }
0xbd: {  	s0 =	sadd.s32 $0x8F2B, s0  }
0xbe: {  	[sflag:s0] =	ssyncadd.remote.s32 $0x1  }
0xbf: {  	_ =	sfence.sel $0xFFFF  }
0xc0: {  	[dreg:$0x0] =	wrdreg $0xFFFFFFFF;
	(pc) =	sbr.abs _section_cstart, $3  }
0xc1: {  	[dreg:$0x1] =	wrdreg $0xFFFFFFFF  }
0xc2: {  	_ =	task.clear_ibuf [dreg:s7], $0x2FFFF;
	_ =	strace $0x9FFFFFFF  }
0xc3: {  	(tm) =	ssettm $0x7FFFFFFF  }
tec
execute0_lowered:
.L_overlay_start_1:
0x0: {  	(tag) =	ssettag $0x1  }
0x1: {  	s6 =	rddreg [dreg:$0x0]  }
0x2: {  	s12 =	rddreg [dreg:$0x1]  }
0x3: {  	s1 =	rddreg [dreg:$0x2]  }
0x4: {  	s0 =	rddreg [dreg:$0x3]  }
0x5: {  	s2 =	simm.s32 $0x0;
	s5 =	srdreg.scid;
	s3 =	stileid.u32  }
0x6: {  	s19 =	simm.s32 $0x960;
	s20 =	simm.s32 $0x3E80;
	s21 =	simm.s32 $0x1  }
0x7: {  	s22 =	simm.s32 $0x2;
	[smem:$0x7FF] =	sst s2;
	s13 =	sadd.s32 $0x2C00, s6  }
0x8: {  	s23 =	simm.s32 $0x0;
	s14 =	sadd.s32 $0x3D3E00, s6;
	s4 =	sadd.s32 $0x24CC00, s6  }
0x9: {  	s9 =	sand.u32 $0x1, s5;
	s5 =	sadd.s32 $0x27DA00, s6;
	s8 =	smul.u32 $0x30D40, s3  }
0xa: {  	s15 =	sadd.s32 $0x280C00, s6;
	s10 =	smul.u32 $0x18A00, s3;
	s30 =	sshll.u32 s3, $0x6  }
0xb: {  	s18 =	smul.u32 $0x61A8, s3;
	_ =	strace $0x8000004A;
	s7 =	ssub.s32 $0x2, s9  }
0xc: {  	s6 =	sor.u32 $0x1C03, s30;
	p0 =	seq.s32 s9, $0x0;
	s29 =	sshrl.u32 s7, $0x1  }
0xd: {  	s31 =	sshrl.u32 s8, $0x3;
	s16 =	sadd.s32 s10, s1;
	s17 =	sshrl.u32 s10, $0x3  }
0xe: {  	s4 =	smov.u32 @p0 s14;
	s15 =	smov.u32 @p0 s12;
	s11 =	ssub.s32 s7, s29  }
0xf: {  	s7 =	sadd.s32 s13, s31;
	s12 =	sadd.s32 s15, s17;
	s13 =	sadd.s32 s18, s13  }
0x10: {  	s14 =	sshrl.u32 s16, $0x3;
	s15 =	simm.s32 $0x3;
	s16 =	simm.s32 $0x640  }
0x11: {  	s17 =	simm.s32 $0x320;
	s18 =	simm.s32 $0xC80;
	s8 =	sadd.s32 $0x61A80, s7  }
0x12: {  	s9 =	smax.u32 s11, $0x1;
	s10 =	sadd.s32 $0x6144, s7;
	s11 =	sadd.s32 $0x67BC4, s7  }
.LBB2_1:
0x13: {  	[spmem:s14], [sflag:s6] =	dma.local [hbm:s5], $0x3140  }
0x14: {  	_ =	swait.ge [sflag:s15], $0x3140  }
0x15: {  	[sflag:s15] =	ssyncset.done $0x0  }
0x16: {  	[sflag:s15] =	ssyncadd.s32 $0xFFFFCEC0  }
0x17: {  	[bflag:$0x0] =	sbarrier.arrive $0xFFFF  }
0x18: {  	[tilespmem:s2], [sflag:$0x3] =	stream.linear.gather [hbm4b:s7+s2], $0x320, $0x38;
	[tilespmem:$0x1FA80] =	vst v63  }
0x19: {  	_ =	swait.ge [sflag:s15], $0x320  }
0x1a: {  	[sflag:s15] =	ssyncset.done $0x0  }
0x1b: {  	[sflag:s15] =	ssyncadd.s32 $0xFFFFFCE0  }
0x1c: {  	[tilespmem:s16], [sflag:$0x3] =	stream.linear.gather [hbm4b:s8+s2], $0x320, $0x38;
	[tilespmem:$0x1FA80] =	vst v63  }
0x1d: {  	_ =	swait.ge [sflag:s15], $0x320  }
0x1e: {  	[sflag:s15] =	ssyncset.done $0x0  }
0x1f: {  	s24 =	sadd.s32 $0xFFFF9F20, s13;
	[sflag:s15] =	ssyncadd.s32 $0xFFFFFCE0  }
0x20: {  	[tilespmem:s18], [sflag:$0x1] =	stream.indirect.gather [hbm4b:s4+s17], $0x10, s2, s17, $0xb8;
	[tilespmem:$0x1FA80] =	vst v63  }
0x21: {  	s25 =	sadd.s32 $0x6144, s24  }
0x22: {  	[tilespmem:s17], [sflag:$0x3] =	stream.linear.gather [hbm4b:s25+s2], $0x320, $0x38;
	[tilespmem:$0x1FA80] =	vst v63  }
0x23: {  	_ =	swait.ge [sflag:s15], $0x320  }
0x24: {  	[sflag:s15] =	ssyncset.done $0x0  }
0x25: {  	s30 =	sadd.s32 $0x67BC4, s24;
	[sflag:s15] =	ssyncadd.s32 $0xFFFFFCE0  }
0x26: {  	[tilespmem:s19], [sflag:$0x3] =	stream.linear.gather [hbm4b:s30+s2], $0x320, $0x38;
	[tilespmem:$0x1FA80] =	vst v63  }
0x27: {  	_ =	swait.ge [sflag:s15], $0x320  }
0x28: {  	[sflag:s15] =	ssyncset.done $0x0  }
0x29: {  	[sflag:s15] =	ssyncadd.s32 $0xFFFFFCE0  }
0x2a: {  	[tilespmem:s20], [sflag:$0x2] =	stream.indirect.gather [hbm4b:s4+s17], $0x10, s17, s17, $0xb8;
	[tilespmem:$0x1FA80] =	vst v63  }
0x2b: {  	_ =	swait.ge [sflag:s21], $0x3200  }
0x2c: {  	[sflag:s21] =	ssyncset.done $0x0  }
0x2d: {  	[sflag:s21] =	ssyncadd.s32 $0xFFFFCE00  }
0x2e: {  	[spmem:s1] =	stream.indirect.scatter.add.f32 [tilespmem:s18], [sflag:$0x3], $0x10, s16, s17, $0xb8;
	[tilespmem:$0x1FA80] =	vst v63  }
0x2f: {  	_ =	swait.ge [sflag:s15], $0x3200  }
0x30: {  	[sflag:s15] =	ssyncset.done $0x0  }
0x31: {  	s31 =	sadd.s32 $0x61A8, s24;
	[sflag:s15] =	ssyncadd.s32 $0xFFFFCE00  }
0x32: {  	[tilespmem:s2], [sflag:$0x3] =	stream.linear.gather [hbm4b:s31+s2], $0x320, $0x38;
	[tilespmem:$0x1FA80] =	vst v63  }
0x33: {  	_ =	swait.ge [sflag:s15], $0x320  }
0x34: {  	[sflag:s15] =	ssyncset.done $0x0  }
0x35: {  	s24 =	sadd.s32 $0x67C28, s24;
	[sflag:s15] =	ssyncadd.s32 $0xFFFFFCE0  }
0x36: {  	[tilespmem:s16], [sflag:$0x3] =	stream.linear.gather [hbm4b:s24+s2], $0x320, $0x38;
	[tilespmem:$0x1FA80] =	vst v63  }
0x37: {  	_ =	swait.ge [sflag:s15], $0x320  }
0x38: {  	[sflag:s15] =	ssyncset.done $0x0  }
0x39: {  	[sflag:s15] =	ssyncadd.s32 $0xFFFFFCE0  }
0x3a: {  	[tilespmem:s18], [sflag:$0x1] =	stream.indirect.gather [hbm4b:s4+s17], $0x10, s2, s17, $0xb8;
	[tilespmem:$0x1FA80] =	vst v63  }
0x3b: {  	_ =	swait.ge [sflag:s22], $0x3200  }
0x3c: {  	[sflag:s22] =	ssyncset.done $0x0  }
0x3d: {  	[sflag:s22] =	ssyncadd.s32 $0xFFFFCE00  }
0x3e: {  	[spmem:s1] =	stream.indirect.scatter.add.f32 [tilespmem:s20], [sflag:$0x3], $0x10, s19, s17, $0xb8;
	[tilespmem:$0x1FA80] =	vst v63  }
0x3f: {  	_ =	swait.ge [sflag:s15], $0x3200  }
0x40: {  	s28 =	simm.s32 $0xFFFFA0B0;
	s24 =	sadd.s32 $0xFFFF9FE8, s13;
	[sflag:s15] =	ssyncset.done $0x0  }
.LBB2_2:
0x41: {  	s29 =	sadd.s32 $0x6144, s24  }
0x42: {  	[sflag:s15] =	ssyncadd.s32 $0xFFFFCE00;
	s26 =	smov.u32 s28;
	s25 =	sadd.s32 $0xC8, s28  }
0x43: {  	[tilespmem:s17], [sflag:$0x3] =	stream.linear.gather [hbm4b:s29+s2], $0x320, $0x38;
	[tilespmem:$0x1FA80] =	vst v63  }
0x44: {  	p0 =	sne.s32 s28, $0xFFFFFF38;
	_ =	swait.ge [sflag:s15], $0x320  }
0x45: {  	[sflag:s15] =	ssyncset.done $0x0  }
0x46: {  	s28 =	sadd.s32 $0x67BC4, s24;
	[sflag:s15] =	ssyncadd.s32 $0xFFFFFCE0  }
0x47: {  	[tilespmem:s19], [sflag:$0x3] =	stream.linear.gather [hbm4b:s28+s2], $0x320, $0x38;
	[tilespmem:$0x1FA80] =	vst v63  }
0x48: {  	_ =	swait.ge [sflag:s15], $0x320  }
0x49: {  	[sflag:s15] =	ssyncset.done $0x0  }
0x4a: {  	[sflag:s15] =	ssyncadd.s32 $0xFFFFFCE0  }
0x4b: {  	[tilespmem:s20], [sflag:$0x2] =	stream.indirect.gather [hbm4b:s4+s17], $0x10, s17, s17, $0xb8;
	[tilespmem:$0x1FA80] =	vst v63  }
0x4c: {  	_ =	swait.ge [sflag:s21], $0x3200  }
0x4d: {  	[sflag:s21] =	ssyncset.done $0x0  }
0x4e: {  	[sflag:s21] =	ssyncadd.s32 $0xFFFFCE00  }
0x4f: {  	[spmem:s1] =	stream.indirect.scatter.add.f32 [tilespmem:s18], [sflag:$0x3], $0x10, s16, s17, $0xb8;
	[tilespmem:$0x1FA80] =	vst v63  }
0x50: {  	_ =	swait.ge [sflag:s15], $0x3200  }
0x51: {  	[sflag:s15] =	ssyncset.done $0x0  }
0x52: {  	s28 =	sadd.s32 $0x61A8, s24;
	[sflag:s15] =	ssyncadd.s32 $0xFFFFCE00  }
0x53: {  	[tilespmem:s2], [sflag:$0x3] =	stream.linear.gather [hbm4b:s28+s2], $0x320, $0x38;
	[tilespmem:$0x1FA80] =	vst v63  }
0x54: {  	_ =	swait.ge [sflag:s15], $0x320  }
0x55: {  	[sflag:s15] =	ssyncset.done $0x0  }
0x56: {  	s24 =	sadd.s32 $0x67C28, s24;
	[sflag:s15] =	ssyncadd.s32 $0xFFFFFCE0  }
0x57: {  	[tilespmem:s16], [sflag:$0x3] =	stream.linear.gather [hbm4b:s24+s2], $0x320, $0x38;
	[tilespmem:$0x1FA80] =	vst v63  }
0x58: {  	_ =	swait.ge [sflag:s15], $0x320  }
0x59: {  	[sflag:s15] =	ssyncset.done $0x0  }
0x5a: {  	[sflag:s15] =	ssyncadd.s32 $0xFFFFFCE0  }
0x5b: {  	[tilespmem:s18], [sflag:$0x1] =	stream.indirect.gather [hbm4b:s4+s17], $0x10, s2, s17, $0xb8;
	[tilespmem:$0x1FA80] =	vst v63  }
0x5c: {  	_ =	swait.ge [sflag:s22], $0x3200  }
.Ltmp0:
0x5d: {  	[sflag:s22] =	ssyncset.done $0x0;
	(pc) =	sbr.rel @p0 .LBB2_2-.Ltmp0, $4  }
0x5e: {  	[sflag:s22] =	ssyncadd.s32 $0xFFFFCE00  }
0x5f: {  	[spmem:s1] =	stream.indirect.scatter.add.f32 [tilespmem:s20], [sflag:$0x3], $0x10, s19, s17, $0xb8;
	[tilespmem:$0x1FA80] =	vst v63  }
0x60: {  	_ =	swait.ge [sflag:s15], $0x3200  }
0x61: {  	s28 =	smov.u32 s25;
	s24 =	sadd.s32 s26, s13;
	[sflag:s15] =	ssyncset.done $0x0  }
0x62: {  	s25 =	sadd.s32 $0x6144, s24;
	[sflag:s15] =	ssyncadd.s32 $0xFFFFCE00  }
0x63: {  	[tilespmem:s17], [sflag:$0x3] =	stream.linear.gather [hbm4b:s25+s2], $0x320, $0x38;
	[tilespmem:$0x1FA80] =	vst v63  }
0x64: {  	_ =	swait.ge [sflag:s15], $0x320  }
0x65: {  	[sflag:s15] =	ssyncset.done $0x0  }
0x66: {  	s29 =	sadd.s32 $0x67BC4, s24;
	[sflag:s15] =	ssyncadd.s32 $0xFFFFFCE0  }
0x67: {  	[tilespmem:s19], [sflag:$0x3] =	stream.linear.gather [hbm4b:s29+s2], $0x320, $0x38;
	[tilespmem:$0x1FA80] =	vst v63  }
0x68: {  	_ =	swait.ge [sflag:s15], $0x320  }
0x69: {  	[sflag:s15] =	ssyncset.done $0x0  }
0x6a: {  	[sflag:s15] =	ssyncadd.s32 $0xFFFFFCE0  }
0x6b: {  	[tilespmem:s20], [sflag:$0x2] =	stream.indirect.gather [hbm4b:s4+s17], $0x10, s17, s17, $0xb8;
	[tilespmem:$0x1FA80] =	vst v63  }
0x6c: {  	_ =	swait.ge [sflag:s21], $0x3200  }
0x6d: {  	[sflag:s21] =	ssyncset.done $0x0  }
0x6e: {  	[sflag:s21] =	ssyncadd.s32 $0xFFFFCE00  }
0x6f: {  	[spmem:s1] =	stream.indirect.scatter.add.f32 [tilespmem:s18], [sflag:$0x3], $0x10, s16, s17, $0xb8;
	[tilespmem:$0x1FA80] =	vst v63  }
0x70: {  	_ =	swait.ge [sflag:s15], $0x3200  }
0x71: {  	[sflag:s15] =	ssyncset.done $0x0  }
0x72: {  	s30 =	sadd.s32 $0x61A8, s24;
	[sflag:s15] =	ssyncadd.s32 $0xFFFFCE00  }
0x73: {  	[tilespmem:s2], [sflag:$0x3] =	stream.linear.gather [hbm4b:s30+s2], $0x320, $0x38;
	[tilespmem:$0x1FA80] =	vst v63  }
0x74: {  	_ =	swait.ge [sflag:s15], $0x320  }
0x75: {  	[sflag:s15] =	ssyncset.done $0x0  }
0x76: {  	s31 =	sadd.s32 $0x67C28, s24;
	[sflag:s15] =	ssyncadd.s32 $0xFFFFFCE0  }
0x77: {  	[tilespmem:s16], [sflag:$0x3] =	stream.linear.gather [hbm4b:s31+s2], $0x320, $0x38;
	[tilespmem:$0x1FA80] =	vst v63  }
0x78: {  	_ =	swait.ge [sflag:s15], $0x320  }
0x79: {  	[sflag:s15] =	ssyncset.done $0x0  }
0x7a: {  	[sflag:s15] =	ssyncadd.s32 $0xFFFFFCE0  }
0x7b: {  	[tilespmem:s18], [sflag:$0x1] =	stream.indirect.gather [hbm4b:s4+s17], $0x10, s2, s17, $0xb8;
	[tilespmem:$0x1FA80] =	vst v63  }
0x7c: {  	_ =	swait.ge [sflag:s22], $0x3200  }
0x7d: {  	[sflag:s22] =	ssyncset.done $0x0  }
0x7e: {  	[sflag:s22] =	ssyncadd.s32 $0xFFFFCE00  }
0x7f: {  	[spmem:s1] =	stream.indirect.scatter.add.f32 [tilespmem:s20], [sflag:$0x3], $0x10, s19, s17, $0xb8;
	[tilespmem:$0x1FA80] =	vst v63  }
0x80: {  	_ =	swait.ge [sflag:s15], $0x3200  }
0x81: {  	[sflag:s15] =	ssyncset.done $0x0  }
0x82: {  	[sflag:s15] =	ssyncadd.s32 $0xFFFFCE00  }
0x83: {  	[tilespmem:s17], [sflag:$0x3] =	stream.linear.gather [hbm4b:s10+s2], $0x320, $0x38;
	[tilespmem:$0x1FA80] =	vst v63  }
0x84: {  	_ =	swait.ge [sflag:s15], $0x320  }
0x85: {  	[sflag:s15] =	ssyncset.done $0x0  }
0x86: {  	[sflag:s15] =	ssyncadd.s32 $0xFFFFFCE0  }
0x87: {  	[tilespmem:s19], [sflag:$0x3] =	stream.linear.gather [hbm4b:s11+s2], $0x320, $0x38;
	[tilespmem:$0x1FA80] =	vst v63  }
0x88: {  	_ =	swait.ge [sflag:s15], $0x320  }
0x89: {  	[sflag:s15] =	ssyncset.done $0x0  }
0x8a: {  	[sflag:s15] =	ssyncadd.s32 $0xFFFFFCE0  }
0x8b: {  	[tilespmem:s20], [sflag:$0x2] =	stream.indirect.gather [hbm4b:s4+s17], $0x10, s17, s17, $0xb8;
	[tilespmem:$0x1FA80] =	vst v63  }
0x8c: {  	_ =	swait.ge [sflag:s21], $0x3200  }
0x8d: {  	[sflag:s21] =	ssyncset.done $0x0  }
0x8e: {  	[sflag:s21] =	ssyncadd.s32 $0xFFFFCE00  }
0x8f: {  	[spmem:s1] =	stream.indirect.scatter.add.f32 [tilespmem:s18], [sflag:$0x3], $0x10, s16, s17, $0xb8;
	[tilespmem:$0x1FA80] =	vst v63  }
0x90: {  	_ =	swait.ge [sflag:s15], $0x3200  }
0x91: {  	[sflag:s15] =	ssyncset.done $0x0  }
0x92: {  	[sflag:s15] =	ssyncadd.s32 $0xFFFFCE00  }
0x93: {  	_ =	swait.ge [sflag:s22], $0x3200  }
0x94: {  	[sflag:s22] =	ssyncset.done $0x0  }
0x95: {  	[sflag:s22] =	ssyncadd.s32 $0xFFFFCE00  }
0x96: {  	[spmem:s1] =	stream.indirect.scatter.add.f32 [tilespmem:s20], [sflag:$0x3], $0x10, s19, s17, $0xb8;
	[tilespmem:$0x1FA80] =	vst v63  }
0x97: {  	_ =	swait.ge [sflag:s15], $0x3200  }
0x98: {  	s23 =	sadd.s32 $0x1, s23;
	[sflag:s15] =	ssyncset.done $0x0  }
0x99: {  	p0 =	sne.s32 s23, s9;
	[sflag:s15] =	ssyncadd.s32 $0xFFFFCE00  }
.Ltmp1:
0x9a: {  	[bflag:$0x0] =	sbarrier.arrive $0xFFFF;
	(pc) =	sbr.rel @p0 .LBB2_1-.Ltmp1, $4  }
0x9b: {  	[hbm:s12], [sflag:s6] =	dma.local [spmem:s14], $0x3140  }
0x9c: {  	_ =	swait.ge [sflag:s15], $0x3140  }
0x9d: {  	[sflag:s15] =	ssyncset.done $0x0  }
0x9e: {  	[sflag:s15] =	ssyncadd.s32 $0xFFFFCEC0  }
0x9f: {  	_ =	sfence.sel $0x180000  }
0xa0: {  	[bflag:$0x0] =	sbarrier.arrive $0xFFFF  }
0xa1: {  	p0 =	sne.s32 s3, $0x0;
	_ =	strace $0x9000004A  }
0xa2: {  	s0 =	sadd.s32 @!p0 $0x100000, s0;
	[bflag:$0x2] =	sbarrier.arrive $0xFFFF  }
0xa3: {  	[sflag:s0] =	ssyncadd.tile.s32 @!p0 $0x1;
	_ =	shalt  }
.Lfunc_end2:
_tile_overlayer_lowered:
.L_overlay_start_2:
0xa4: {  	(tag) =	ssettag $0x2  }
0xa5: {  	s0 =	rddreg [dreg:$0x0];
	s2 =	stileid.u32  }
0xa6: {  	s1 =	rddreg [dreg:$0x1];
	p0 =	sne.s32 s2, $0x0  }
0xa7: {  	s3 =	rddreg [dreg:$0x2];
	[bflag:$0x3] =	sbarrier.arrive $0xFFFF;
	s2 =	simm.s32 @!p0 $0x1C03  }
0xa8: {  	[timem:s3], [sflag:s2] =	dma.local @!p0 [hbm:s0], s1  }
0xa9: {  	s0 =	simm.s32 @!p0 $0x3  }
0xaa: {  	_ =	swait.ge @!p0 [sflag:s0], s1  }
0xab: {  	s1 =	ssub.s32 @!p0 $0x0, s1;
	[sflag:s0] =	ssyncset.done @!p0 $0x0  }
0xac: {  	[sflag:s0] =	ssyncadd.s32 @!p0 s1  }
0xad: {  	[bflag:$0x3] =	sbarrier.arrive $0xFFFF  }
0xae: {  	_ =	shalt  }

</sc_bundles>
